<compile_context>
chip_gen: v7x
topology: tpu7x:2x2x1
jax: 0.10.2.dev20260603
libtpu: 0.0.44.dev20260713+nightly
codegen_flags: <defaults>
</compile_context>

<pallas_src>
import functools

import jax
import jax.numpy as jnp
from jax import lax
from jax.experimental import pallas as pl
from jax.experimental.pallas import tpu as pltpu
from jax.experimental.pallas import tpu_sc as plsc

N_NODES = 10000
N_EDGES = 160000
EMB = 256
HID = 512
DEPTH = 3
HALF = EMB // 2

NUM_SC = 2
TILES = 16
EDGES_PER_TILE = N_EDGES // TILES
CHUNK = 80
NCHUNK = EDGES_PER_TILE // CHUNK
RPT = 632
RPT_LAST = N_NODES - (TILES - 1) * RPT


@functools.cache
def _sc_segment_sum():
  mesh = plsc.VectorSubcoreMesh(core_axis_name="c", subcore_axis_name="s",
                                num_cores=NUM_SC, num_subcores=TILES)

  @functools.partial(
      pl.kernel,
      out_type=jax.ShapeDtypeStruct((2 * N_NODES, HALF), jnp.float32),
      mesh=mesh,
      scratch_types=[
          pltpu.VMEM((CHUNK,), jnp.int32),
          pltpu.VMEM((CHUNK,), jnp.int32),
          pltpu.VMEM((CHUNK, HALF), jnp.float32),
          pltpu.VMEM_SHARED((N_NODES, HALF), jnp.float32),
          pltpu.SemaphoreType.DMA,
      ],
  )
  def seg_sum(h2, gidx, dst, zrows, out, sidx_v, didx_v, rows_v, acc, sem):
    c = lax.axis_index("c")
    s = lax.axis_index("s")

    rbase = pl.multiple_of(s * RPT, 8)

    @pl.when(s < TILES - 1)
    def _():
      pltpu.sync_copy(zrows, acc.at[pl.ds(rbase, RPT)])

    @pl.when(s == TILES - 1)
    def _():
      pltpu.sync_copy(zrows.at[pl.ds(0, RPT_LAST)],
                      acc.at[pl.ds((TILES - 1) * RPT, RPT_LAST)])

    plsc.subcore_barrier()

    ebase = c * N_EDGES + s * EDGES_PER_TILE
    dbase = s * EDGES_PER_TILE

    def chunk(k, carry):
      off = k * CHUNK
      pltpu.sync_copy(gidx.at[pl.ds(ebase + off, CHUNK)], sidx_v)
      pltpu.sync_copy(dst.at[pl.ds(dbase + off, CHUNK)], didx_v)
      pltpu.async_copy(h2.at[sidx_v], rows_v, sem).wait()
      pltpu.sync_copy(rows_v, acc.at[didx_v], add=True)
      return carry

    lax.fori_loop(0, NCHUNK, chunk, 0)
    plsc.subcore_barrier()

    obase = pl.multiple_of(c * N_NODES + rbase, 8)

    @pl.when(s < TILES - 1)
    def _():
      pltpu.sync_copy(acc.at[pl.ds(rbase, RPT)], out.at[pl.ds(obase, RPT)])

    @pl.when(s == TILES - 1)
    def _():
      pltpu.sync_copy(
          acc.at[pl.ds((TILES - 1) * RPT, RPT_LAST)],
          out.at[pl.ds(pl.multiple_of(c * N_NODES + (TILES - 1) * RPT, 8),
                       RPT_LAST)])

  return seg_sum


BR = 1000
NB = N_NODES // BR


def _tc_layer(h, agg_flat, eps_i, W1, b1, W2, b2, gamma, beta, m_prev):

  def body(eps_r, h_r, aA_r, aB_r, W1_r, b1_r, W2_r, b2_r, g_r, be_r, m_r,
           hn_r, mn_r, v_s, acc_s):
    ph = pl.program_id(0)
    b = pl.program_id(1)

    @pl.when(ph == 0)
    def _():
      @pl.when(b == 0)
      def _():
        acc_s[...] = jnp.zeros_like(acc_s)

      agg = jnp.concatenate([aA_r[...], aB_r[...]], axis=1)
      z = (1.0 + eps_r[0, 0]) * h_r[...] + agg
      u = jnp.maximum(
          jnp.dot(z, W1_r[...], preferred_element_type=jnp.float32) + b1_r[...],
          0.0)
      v = jnp.dot(u, W2_r[...], preferred_element_type=jnp.float32) + b2_r[...]
      v_s[pl.ds(b * BR, BR), :] = v
      acc_s[0:1, :] += jnp.sum(v, axis=0, keepdims=True)
      acc_s[1:2, :] += jnp.sum(v * v, axis=0, keepdims=True)

    @pl.when(ph == 1)
    def _():
      mean = acc_s[0:1, :] * (1.0 / N_NODES)
      var = acc_s[1:2, :] * (1.0 / N_NODES) - mean * mean
      inv = lax.rsqrt(var + 1e-5)
      v = v_s[pl.ds(b * BR, BR), :]
      zz = (v - mean) * (inv * g_r[...]) + be_r[...]
      hn = jnp.maximum(zz, 0.0)
      hn_r[...] = hn
      mn_r[...] = jnp.maximum(m_r[...], hn)

  def on_ph0(ph, b):
    return (jnp.where(ph == 0, b, 0), 0)

  def on_ph1(ph, b):
    return (jnp.where(ph == 1, b, 0), 0)

  const = lambda ph, b: (0, 0)

  h_new, m_new = pl.pallas_call(
      body,
      grid=(2, NB),
      in_specs=[
          pl.BlockSpec(memory_space=pltpu.SMEM),
          pl.BlockSpec((BR, EMB), on_ph0),
          pl.BlockSpec((BR, HALF), on_ph0),
          pl.BlockSpec((BR, HALF),
                       lambda ph, b: (jnp.where(ph == 0, b + NB, NB), 0)),
          pl.BlockSpec((EMB, HID), const),
          pl.BlockSpec((1, HID), const),
          pl.BlockSpec((HID, EMB), const),
          pl.BlockSpec((1, EMB), const),
          pl.BlockSpec((1, EMB), const),
          pl.BlockSpec((1, EMB), const),
          pl.BlockSpec((BR, EMB), on_ph1),
      ],
      out_specs=[
          pl.BlockSpec((BR, EMB), on_ph1),
          pl.BlockSpec((BR, EMB), on_ph1),
      ],
      out_shape=[
          jax.ShapeDtypeStruct((N_NODES, EMB), jnp.float32),
          jax.ShapeDtypeStruct((N_NODES, EMB), jnp.float32),
      ],
      scratch_shapes=[
          pltpu.VMEM((N_NODES, EMB), jnp.float32),
          pltpu.VMEM((8, EMB), jnp.float32),
      ],
  )(eps_i, h, agg_flat, agg_flat, W1, b1, W2, b2, gamma, beta, m_prev)
  return h_new, m_new


def kernel(x, edge_index, eps, W1, b1, W2, b2, gamma, beta):
  src = edge_index[0].astype(jnp.int32)
  dst = edge_index[1].astype(jnp.int32)
  gidx = jnp.concatenate([2 * src, 2 * src + 1])
  zrows = jnp.zeros((RPT, HALF), jnp.float32)

  h = x
  m = jnp.zeros_like(x)
  for i in range(DEPTH):
    agg_flat = _sc_segment_sum()(h.reshape(2 * N_NODES, HALF), gidx, dst,
                                 zrows)
    h, m = _tc_layer(h, agg_flat, eps[i].reshape(1, 1), W1[i],
                     b1[i].reshape(1, HID), W2[i], b2[i].reshape(1, EMB),
                     gamma[i].reshape(1, EMB), beta[i].reshape(1, EMB), m)
  return m

# --- scband reference (transcript-rebuilt; emitter-appended) ---
"""Pipeline reference for scband-road-gin-36610301231508 (READ-ONLY COPY).

The authoritative reference and input builder live on the scoring server;
editing this copy changes nothing except your own understanding.
"""

import jax, jax.numpy as jnp
import numpy as np

EMB = 256
HID = 512
DEPTH = 3
N = 10000
E = 160000


def setup_inputs(seed: int = 0) -> dict:
    key = jax.random.key(seed)
    ks = jax.random.split(key, 16)
    x = jax.random.normal(ks[0], (N, EMB), dtype=jnp.float32)
    edge_index = jax.random.randint(ks[1], (2, E), 0, N, dtype=jnp.int64)
    # Per-layer parameters stacked along a leading depth axis.
    s1 = 1.0 / np.sqrt(EMB)
    s2 = 1.0 / np.sqrt(HID)
    W1 = jax.random.uniform(ks[2], (DEPTH, EMB, HID), dtype=jnp.float32, minval=-s1, maxval=s1)
    b1 = jax.random.uniform(ks[3], (DEPTH, HID), dtype=jnp.float32, minval=-s1, maxval=s1)
    W2 = jax.random.uniform(ks[4], (DEPTH, HID, EMB), dtype=jnp.float32, minval=-s2, maxval=s2)
    b2 = jax.random.uniform(ks[5], (DEPTH, EMB), dtype=jnp.float32, minval=-s2, maxval=s2)
    eps = jnp.zeros((DEPTH,), dtype=jnp.float32)  # GINConv train_eps init 0
    gamma = jnp.ones((DEPTH, EMB), dtype=jnp.float32)
    beta = jnp.zeros((DEPTH, EMB), dtype=jnp.float32)
    return {"x": x, "edge_index": edge_index, "eps": eps, "W1": W1, "b1": b1, "W2": W2, "b2": b2, "gamma": gamma, "beta": beta}


def reference(x, edge_index, eps, W1, b1, W2, b2, gamma, beta):
    src = edge_index[0]
    dst = edge_index[1]
    n = x.shape[0]
    outs = []
    h = x
    for i in range(DEPTH):
        # GINConv with sum aggregation: (1 + eps) * x_i + sum_{j in N(i)} x_j
        agg = jax.ops.segment_sum(h[src], dst, num_segments=n)
        z = (1.0 + eps[i]) * h + agg
        # MLP: Linear -> ReLU -> Linear
        z = jnp.maximum(z @ W1[i] + b1[i], 0.0)
        z = z @ W2[i] + b2[i]
        # BatchNorm1d (training mode: batch statistics over nodes)
        mean = jnp.mean(z, axis=0)
        var = jnp.var(z, axis=0)
        z = (z - mean) / jnp.sqrt(var + 1e-5) * gamma[i] + beta[i]
        h = jnp.maximum(z, 0.0)
        outs.append(h)
    stacked = jnp.stack(outs, axis=0)
    return jnp.max(stacked, axis=0)

if __name__ == "__main__":
    import jax
    _d = setup_inputs()
    print(jax.jit(kernel)(*tuple(_d.values())))

</pallas_src>

<mosaic_0001>
#map = affine_map<(d0, d1) -> (0, 0)>
#map1 = affine_map<(d0, d1) -> (0)>
module attributes {stable_mosaic.version = 14 : i64} {
  func.func @seg_sum(%arg0: i32, %arg1: i32, %arg2: memref<20000x128xf32, #tpu.memory_space<hbm>>, %arg3: memref<320000xi32, #tpu.memory_space<hbm>>, %arg4: memref<160000xi32, #tpu.memory_space<hbm>>, %arg5: memref<632x128xf32, #tpu.memory_space<hbm>>, %arg6: memref<20000x128xf32, #tpu.memory_space<hbm>>, %arg7: memref<80xi32, #tpu.memory_space<vmem>>, %arg8: memref<80xi32, #tpu.memory_space<vmem>>, %arg9: memref<80x128xf32, #tpu.memory_space<vmem>>, %arg10: memref<10000x128xf32, #tpu.memory_space<vmem_shared>>, %arg11: memref<!tpu.dma_semaphore, #tpu.memory_space<semaphore_mem>>) attributes {dimension_semantics = [#tpu.dimension_semantics<core_parallel>, #tpu.dimension_semantics<subcore_parallel>], iteration_bounds = array<i64: 2, 16>, scalar_prefetch = 0 : i64, scratch_operands = 5 : i64, tpu.core_type = #tpu.core_type<sc_vector_subcore>, window_params = [{transform_indices = #map}, {transform_indices = #map1}, {transform_indices = #map1}, {transform_indices = #map}, {transform_indices = #map}]} {
    %mul3A = arith.constant 632 : i32
    %mul3A_0 = arith.muli %arg1, %mul3A : i32
    %multiple_of3A = tpu.assume_multiple %mul3A_0, 8 : i32
    %lt3A = arith.constant 15 : i32
    %lt3A_1 = arith.cmpi slt, %arg1, %lt3A : i32
    %convert_element_type3A = arith.extui %lt3A_1 : i1 to i32
    %cond3A = arith.constant 0 : i32
    %cond3A_2 = arith.cmpi ne, %convert_element_type3A, %cond3A : i32
    scf.if %cond3A_2 {
      "tpu.region"() ({
        %run_scoped3A = tpu.sem_alloc : memref<!tpu.dma_semaphore, #tpu.memory_space<semaphore_mem>>
        %dma_start3A = arith.constant 0 : i32
        %dma_start3A_33 = tpu.memref_slice %arg10[%multiple_of3A, %dma_start3A] : memref<10000x128xf32, #tpu.memory_space<vmem_shared>> -> memref<632x128xf32, #tpu.memory_space<vmem_shared>>
        tpu.enqueue_dma source(%arg5 : memref<632x128xf32, #tpu.memory_space<hbm>>) target(%dma_start3A_33 : memref<632x128xf32, #tpu.memory_space<vmem_shared>>) target_semaphore(%run_scoped3A : memref<!tpu.dma_semaphore, #tpu.memory_space<semaphore_mem>>)
        %dma_wait3A = arith.constant 0 : i32
        %dma_wait3A_34 = tpu.memref_slice %arg10[%multiple_of3A, %dma_wait3A] : memref<10000x128xf32, #tpu.memory_space<vmem_shared>> -> memref<632x128xf32, #tpu.memory_space<vmem_shared>>
        tpu.wait_dma2 semaphore(%run_scoped3A : memref<!tpu.dma_semaphore, #tpu.memory_space<semaphore_mem>>) src(%arg5 : memref<632x128xf32, #tpu.memory_space<hbm>>) dst(%dma_wait3A_34 : memref<632x128xf32, #tpu.memory_space<vmem_shared>>)
        tpu.yield
      }) : () -> ()
    } else {
    }
    %eq3A = arith.constant 15 : i32
    %eq3A_3 = arith.cmpi eq, %arg1, %eq3A : i32
    %convert_element_type3A_4 = arith.extui %eq3A_3 : i1 to i32
    %cond3A_5 = arith.constant 0 : i32
    %cond3A_6 = arith.cmpi ne, %convert_element_type3A_4, %cond3A_5 : i32
    scf.if %cond3A_6 {
      "tpu.region"() ({
        %run_scoped3A = tpu.sem_alloc : memref<!tpu.dma_semaphore, #tpu.memory_space<semaphore_mem>>
        %dma_start3A = arith.constant 9480 : i32
        %dma_start3A_33 = arith.constant 0 : i32
        %dma_start3A_34 = tpu.memref_slice %arg10[%dma_start3A, %dma_start3A_33] : memref<10000x128xf32, #tpu.memory_space<vmem_shared>> -> memref<520x128xf32, #tpu.memory_space<vmem_shared>>
        %dma_start3A_35 = arith.constant 0 : i32
        %dma_start3A_36 = arith.constant 0 : i32
        %dma_start3A_37 = tpu.memref_slice %arg5[%dma_start3A_35, %dma_start3A_36] : memref<632x128xf32, #tpu.memory_space<hbm>> -> memref<520x128xf32, #tpu.memory_space<hbm>>
        tpu.enqueue_dma source(%dma_start3A_37 : memref<520x128xf32, #tpu.memory_space<hbm>>) target(%dma_start3A_34 : memref<520x128xf32, #tpu.memory_space<vmem_shared>>) target_semaphore(%run_scoped3A : memref<!tpu.dma_semaphore, #tpu.memory_space<semaphore_mem>>)
        %dma_wait3A = arith.constant 9480 : i32
        %dma_wait3A_38 = arith.constant 0 : i32
        %dma_wait3A_39 = tpu.memref_slice %arg10[%dma_wait3A, %dma_wait3A_38] : memref<10000x128xf32, #tpu.memory_space<vmem_shared>> -> memref<520x128xf32, #tpu.memory_space<vmem_shared>>
        %dma_wait3A_40 = arith.constant 0 : i32
        %dma_wait3A_41 = arith.constant 0 : i32
        %dma_wait3A_42 = tpu.memref_slice %arg5[%dma_wait3A_40, %dma_wait3A_41] : memref<632x128xf32, #tpu.memory_space<hbm>> -> memref<520x128xf32, #tpu.memory_space<hbm>>
        tpu.wait_dma2 semaphore(%run_scoped3A : memref<!tpu.dma_semaphore, #tpu.memory_space<semaphore_mem>>) src(%dma_wait3A_42 : memref<520x128xf32, #tpu.memory_space<hbm>>) dst(%dma_wait3A_39 : memref<520x128xf32, #tpu.memory_space<vmem_shared>>)
        tpu.yield
      }) : () -> ()
    } else {
    }
    %barrier3A = arith.constant 0 : index
    tpu.barrier barrier_id(%barrier3A)
    %mul3A_7 = arith.constant 160000 : i32
    %mul3A_8 = arith.muli %arg0, %mul3A_7 : i32
    %mul3A_9 = arith.constant 10000 : i32
    %mul3A_10 = arith.muli %arg1, %mul3A_9 : i32
    %add3A = arith.addi %mul3A_8, %mul3A_10 : i32
    %mul3A_11 = arith.constant 10000 : i32
    %mul3A_12 = arith.muli %arg1, %mul3A_11 : i32
    %scan3A = arith.constant 0 : i32
    %scan3A_13 = arith.constant 0 : i32
    %scan3A_14 = arith.constant 125 : i32
    %scan3A_15 = arith.addi %scan3A_13, %scan3A_14 : i32
    %scan3A_16 = arith.constant 1 : i32
    scf.for %scan3A_33 = %scan3A_13 to %scan3A_15 step %scan3A_16  : i32 {
      %mul3A_34 = arith.constant 80 : i32
      %mul3A_35 = arith.muli %scan3A_33, %mul3A_34 : i32
      %add3A_36 = arith.addi %add3A, %mul3A_35 : i32
      "tpu.region"() ({
        %run_scoped3A = tpu.sem_alloc : memref<!tpu.dma_semaphore, #tpu.memory_space<semaphore_mem>>
        %dma_start3A_42 = tpu.memref_slice %arg3[%add3A_36] : memref<320000xi32, #tpu.memory_space<hbm>> -> memref<80xi32, #tpu.memory_space<hbm>>
        %dma_start3A_43 = tpu.memref_slice %arg3[%add3A_36] : memref<320000xi32, #tpu.memory_space<hbm>> -> memref<80xi32, #tpu.memory_space<hbm>>
        tpu.enqueue_dma source(%dma_start3A_43 : memref<80xi32, #tpu.memory_space<hbm>>) target(%arg7 : memref<80xi32, #tpu.memory_space<vmem>>) target_semaphore(%run_scoped3A : memref<!tpu.dma_semaphore, #tpu.memory_space<semaphore_mem>>)
        %dma_wait3A_44 = tpu.memref_slice %arg3[%add3A_36] : memref<320000xi32, #tpu.memory_space<hbm>> -> memref<80xi32, #tpu.memory_space<hbm>>
        %dma_wait3A_45 = tpu.memref_slice %arg3[%add3A_36] : memref<320000xi32, #tpu.memory_space<hbm>> -> memref<80xi32, #tpu.memory_space<hbm>>
        tpu.wait_dma2 semaphore(%run_scoped3A : memref<!tpu.dma_semaphore, #tpu.memory_space<semaphore_mem>>) src(%dma_wait3A_45 : memref<80xi32, #tpu.memory_space<hbm>>) dst(%arg7 : memref<80xi32, #tpu.memory_space<vmem>>)
        tpu.yield
      }) : () -> ()
      %add3A_37 = arith.addi %mul3A_12, %mul3A_35 : i32
      "tpu.region"() ({
        %run_scoped3A = tpu.sem_alloc : memref<!tpu.dma_semaphore, #tpu.memory_space<semaphore_mem>>
        %dma_start3A_42 = tpu.memref_slice %arg4[%add3A_37] : memref<160000xi32, #tpu.memory_space<hbm>> -> memref<80xi32, #tpu.memory_space<hbm>>
        %dma_start3A_43 = tpu.memref_slice %arg4[%add3A_37] : memref<160000xi32, #tpu.memory_space<hbm>> -> memref<80xi32, #tpu.memory_space<hbm>>
        tpu.enqueue_dma source(%dma_start3A_43 : memref<80xi32, #tpu.memory_space<hbm>>) target(%arg8 : memref<80xi32, #tpu.memory_space<vmem>>) target_semaphore(%run_scoped3A : memref<!tpu.dma_semaphore, #tpu.memory_space<semaphore_mem>>)
        %dma_wait3A_44 = tpu.memref_slice %arg4[%add3A_37] : memref<160000xi32, #tpu.memory_space<hbm>> -> memref<80xi32, #tpu.memory_space<hbm>>
        %dma_wait3A_45 = tpu.memref_slice %arg4[%add3A_37] : memref<160000xi32, #tpu.memory_space<hbm>> -> memref<80xi32, #tpu.memory_space<hbm>>
        tpu.wait_dma2 semaphore(%run_scoped3A : memref<!tpu.dma_semaphore, #tpu.memory_space<semaphore_mem>>) src(%dma_wait3A_45 : memref<80xi32, #tpu.memory_space<hbm>>) dst(%arg8 : memref<80xi32, #tpu.memory_space<vmem>>)
        tpu.yield
      }) : () -> ()
      %dma_start3A = arith.constant 0 : i32
      %dma_start3A_38 = arith.constant 0 : i32
      %dma_start3A_39 = tpu.memref_slice %arg2[%dma_start3A, %dma_start3A_38] : memref<20000x128xf32, #tpu.memory_space<hbm>> -> memref<20000x128xf32, #tpu.memory_space<hbm>>
      tpu.enqueue_indirect_dma source(%dma_start3A_39 : memref<20000x128xf32, #tpu.memory_space<hbm>>) target(%arg9 : memref<80x128xf32, #tpu.memory_space<vmem>>) offsets(%arg7 : memref<80xi32, #tpu.memory_space<vmem>>) semaphore(%arg11 : memref<!tpu.dma_semaphore, #tpu.memory_space<semaphore_mem>>)
      %dma_wait3A = arith.constant 0 : i32
      %dma_wait3A_40 = arith.constant 0 : i32
      %dma_wait3A_41 = tpu.memref_slice %arg2[%dma_wait3A, %dma_wait3A_40] : memref<20000x128xf32, #tpu.memory_space<hbm>> -> memref<20000x128xf32, #tpu.memory_space<hbm>>
      tpu.wait_indirect_dma semaphore(%arg11 : memref<!tpu.dma_semaphore, #tpu.memory_space<semaphore_mem>>) src(%dma_wait3A_41 : memref<20000x128xf32, #tpu.memory_space<hbm>>) dst(%arg9 : memref<80x128xf32, #tpu.memory_space<vmem>>)
      "tpu.region"() ({
        %run_scoped3A = tpu.sem_alloc : memref<!tpu.dma_semaphore, #tpu.memory_space<semaphore_mem>>
        %dma_start3A_42 = arith.constant 0 : i32
        %dma_start3A_43 = arith.constant 0 : i32
        %dma_start3A_44 = tpu.memref_slice %arg10[%dma_start3A_42, %dma_start3A_43] : memref<10000x128xf32, #tpu.memory_space<vmem_shared>> -> memref<10000x128xf32, #tpu.memory_space<vmem_shared>>
        tpu.enqueue_indirect_dma source(%arg9 : memref<80x128xf32, #tpu.memory_space<vmem>>) target(%dma_start3A_44 : memref<10000x128xf32, #tpu.memory_space<vmem_shared>>) offsets(%arg8 : memref<80xi32, #tpu.memory_space<vmem>>) semaphore(%run_scoped3A : memref<!tpu.dma_semaphore, #tpu.memory_space<semaphore_mem>>) {add = true}
        %dma_wait3A_45 = arith.constant 0 : i32
        %dma_wait3A_46 = arith.constant 0 : i32
        %dma_wait3A_47 = tpu.memref_slice %arg10[%dma_wait3A_45, %dma_wait3A_46] : memref<10000x128xf32, #tpu.memory_space<vmem_shared>> -> memref<10000x128xf32, #tpu.memory_space<vmem_shared>>
        tpu.wait_indirect_dma semaphore(%run_scoped3A : memref<!tpu.dma_semaphore, #tpu.memory_space<semaphore_mem>>) src(%arg9 : memref<80x128xf32, #tpu.memory_space<vmem>>) dst(%dma_wait3A_47 : memref<10000x128xf32, #tpu.memory_space<vmem_shared>>)
        tpu.yield
      }) : () -> ()
    }
    %scan3A_17 = arith.constant 125 : i32
    %barrier3A_18 = arith.constant 0 : index
    tpu.barrier barrier_id(%barrier3A_18)
    %mul3A_19 = arith.constant 10000 : i32
    %mul3A_20 = arith.muli %arg0, %mul3A_19 : i32
    %add3A_21 = arith.addi %mul3A_20, %multiple_of3A : i32
    %multiple_of3A_22 = tpu.assume_multiple %add3A_21, 8 : i32
    %lt3A_23 = arith.constant 15 : i32
    %lt3A_24 = arith.cmpi slt, %arg1, %lt3A_23 : i32
    %convert_element_type3A_25 = arith.extui %lt3A_24 : i1 to i32
    %cond3A_26 = arith.constant 0 : i32
    %cond3A_27 = arith.cmpi ne, %convert_element_type3A_25, %cond3A_26 : i32
    scf.if %cond3A_27 {
      "tpu.region"() ({
        %run_scoped3A = tpu.sem_alloc : memref<!tpu.dma_semaphore, #tpu.memory_space<semaphore_mem>>
        %dma_start3A = arith.constant 0 : i32
        %dma_start3A_33 = tpu.memref_slice %arg6[%multiple_of3A_22, %dma_start3A] : memref<20000x128xf32, #tpu.memory_space<hbm>> -> memref<632x128xf32, #tpu.memory_space<hbm>>
        %dma_start3A_34 = arith.constant 0 : i32
        %dma_start3A_35 = tpu.memref_slice %arg10[%multiple_of3A, %dma_start3A_34] : memref<10000x128xf32, #tpu.memory_space<vmem_shared>> -> memref<632x128xf32, #tpu.memory_space<vmem_shared>>
        tpu.enqueue_dma source(%dma_start3A_35 : memref<632x128xf32, #tpu.memory_space<vmem_shared>>) target(%dma_start3A_33 : memref<632x128xf32, #tpu.memory_space<hbm>>) target_semaphore(%run_scoped3A : memref<!tpu.dma_semaphore, #tpu.memory_space<semaphore_mem>>)
        %dma_wait3A = arith.constant 0 : i32
        %dma_wait3A_36 = tpu.memref_slice %arg6[%multiple_of3A_22, %dma_wait3A] : memref<20000x128xf32, #tpu.memory_space<hbm>> -> memref<632x128xf32, #tpu.memory_space<hbm>>
        %dma_wait3A_37 = arith.constant 0 : i32
        %dma_wait3A_38 = tpu.memref_slice %arg10[%multiple_of3A, %dma_wait3A_37] : memref<10000x128xf32, #tpu.memory_space<vmem_shared>> -> memref<632x128xf32, #tpu.memory_space<vmem_shared>>
        tpu.wait_dma2 semaphore(%run_scoped3A : memref<!tpu.dma_semaphore, #tpu.memory_space<semaphore_mem>>) src(%dma_wait3A_38 : memref<632x128xf32, #tpu.memory_space<vmem_shared>>) dst(%dma_wait3A_36 : memref<632x128xf32, #tpu.memory_space<hbm>>)
        tpu.yield
      }) : () -> ()
    } else {
    }
    %eq3A_28 = arith.constant 15 : i32
    %eq3A_29 = arith.cmpi eq, %arg1, %eq3A_28 : i32
    %convert_element_type3A_30 = arith.extui %eq3A_29 : i1 to i32
    %cond3A_31 = arith.constant 0 : i32
    %cond3A_32 = arith.cmpi ne, %convert_element_type3A_30, %cond3A_31 : i32
    scf.if %cond3A_32 {
      %mul3A_33 = arith.constant 10000 : i32
      %mul3A_34 = arith.muli %arg0, %mul3A_33 : i32
      %add3A_35 = arith.constant 9480 : i32
      %add3A_36 = arith.addi %mul3A_34, %add3A_35 : i32
      %multiple_of3A_37 = tpu.assume_multiple %add3A_36, 8 : i32
      "tpu.region"() ({
        %run_scoped3A = tpu.sem_alloc : memref<!tpu.dma_semaphore, #tpu.memory_space<semaphore_mem>>
        %dma_start3A = arith.constant 0 : i32
        %dma_start3A_38 = tpu.memref_slice %arg6[%multiple_of3A_37, %dma_start3A] : memref<20000x128xf32, #tpu.memory_space<hbm>> -> memref<520x128xf32, #tpu.memory_space<hbm>>
        %dma_start3A_39 = arith.constant 9480 : i32
        %dma_start3A_40 = arith.constant 0 : i32
        %dma_start3A_41 = tpu.memref_slice %arg10[%dma_start3A_39, %dma_start3A_40] : memref<10000x128xf32, #tpu.memory_space<vmem_shared>> -> memref<520x128xf32, #tpu.memory_space<vmem_shared>>
        tpu.enqueue_dma source(%dma_start3A_41 : memref<520x128xf32, #tpu.memory_space<vmem_shared>>) target(%dma_start3A_38 : memref<520x128xf32, #tpu.memory_space<hbm>>) target_semaphore(%run_scoped3A : memref<!tpu.dma_semaphore, #tpu.memory_space<semaphore_mem>>)
        %dma_wait3A = arith.constant 0 : i32
        %dma_wait3A_42 = tpu.memref_slice %arg6[%multiple_of3A_37, %dma_wait3A] : memref<20000x128xf32, #tpu.memory_space<hbm>> -> memref<520x128xf32, #tpu.memory_space<hbm>>
        %dma_wait3A_43 = arith.constant 9480 : i32
        %dma_wait3A_44 = arith.constant 0 : i32
        %dma_wait3A_45 = tpu.memref_slice %arg10[%dma_wait3A_43, %dma_wait3A_44] : memref<10000x128xf32, #tpu.memory_space<vmem_shared>> -> memref<520x128xf32, #tpu.memory_space<vmem_shared>>
        tpu.wait_dma2 semaphore(%run_scoped3A : memref<!tpu.dma_semaphore, #tpu.memory_space<semaphore_mem>>) src(%dma_wait3A_45 : memref<520x128xf32, #tpu.memory_space<vmem_shared>>) dst(%dma_wait3A_42 : memref<520x128xf32, #tpu.memory_space<hbm>>)
        tpu.yield
      }) : () -> ()
    } else {
    }
    return
  }
}

#map = affine_map<(d0, d1) -> (0, 0)>
#map1 = affine_map<(d0, d1) -> (0)>
module attributes {stable_mosaic.version = 14 : i64} {
  func.func @seg_sum(%arg0: i32, %arg1: i32, %arg2: memref<20000x128xf32, #tpu.memory_space<hbm>>, %arg3: memref<320000xi32, #tpu.memory_space<hbm>>, %arg4: memref<160000xi32, #tpu.memory_space<hbm>>, %arg5: memref<632x128xf32, #tpu.memory_space<hbm>>, %arg6: memref<20000x128xf32, #tpu.memory_space<hbm>>, %arg7: memref<80xi32, #tpu.memory_space<vmem>>, %arg8: memref<80xi32, #tpu.memory_space<vmem>>, %arg9: memref<80x128xf32, #tpu.memory_space<vmem>>, %arg10: memref<10000x128xf32, #tpu.memory_space<vmem_shared>>, %arg11: memref<!tpu.dma_semaphore, #tpu.memory_space<semaphore_mem>>) attributes {dimension_semantics = [#tpu.dimension_semantics<core_parallel>, #tpu.dimension_semantics<subcore_parallel>], iteration_bounds = array<i64: 2, 16>, scalar_prefetch = 0 : i64, scratch_operands = 5 : i64, tpu.core_type = #tpu.core_type<sc_vector_subcore>, window_params = [{transform_indices = #map}, {transform_indices = #map1}, {transform_indices = #map1}, {transform_indices = #map}, {transform_indices = #map}]} {
    %mul3A = arith.constant 632 : i32
    %mul3A_0 = arith.muli %arg1, %mul3A : i32
    %multiple_of3A = tpu.assume_multiple %mul3A_0, 8 : i32
    %lt3A = arith.constant 15 : i32
    %lt3A_1 = arith.cmpi slt, %arg1, %lt3A : i32
    %convert_element_type3A = arith.extui %lt3A_1 : i1 to i32
    %cond3A = arith.constant 0 : i32
    %cond3A_2 = arith.cmpi ne, %convert_element_type3A, %cond3A : i32
    scf.if %cond3A_2 {
      "tpu.region"() ({
        %run_scoped3A = tpu.sem_alloc : memref<!tpu.dma_semaphore, #tpu.memory_space<semaphore_mem>>
        %dma_start3A = arith.constant 0 : i32
        %dma_start3A_33 = tpu.memref_slice %arg10[%multiple_of3A, %dma_start3A] : memref<10000x128xf32, #tpu.memory_space<vmem_shared>> -> memref<632x128xf32, #tpu.memory_space<vmem_shared>>
        tpu.enqueue_dma source(%arg5 : memref<632x128xf32, #tpu.memory_space<hbm>>) target(%dma_start3A_33 : memref<632x128xf32, #tpu.memory_space<vmem_shared>>) target_semaphore(%run_scoped3A : memref<!tpu.dma_semaphore, #tpu.memory_space<semaphore_mem>>)
        %dma_wait3A = arith.constant 0 : i32
        %dma_wait3A_34 = tpu.memref_slice %arg10[%multiple_of3A, %dma_wait3A] : memref<10000x128xf32, #tpu.memory_space<vmem_shared>> -> memref<632x128xf32, #tpu.memory_space<vmem_shared>>
        tpu.wait_dma2 semaphore(%run_scoped3A : memref<!tpu.dma_semaphore, #tpu.memory_space<semaphore_mem>>) src(%arg5 : memref<632x128xf32, #tpu.memory_space<hbm>>) dst(%dma_wait3A_34 : memref<632x128xf32, #tpu.memory_space<vmem_shared>>)
        tpu.yield
      }) : () -> ()
    } else {
    }
    %eq3A = arith.constant 15 : i32
    %eq3A_3 = arith.cmpi eq, %arg1, %eq3A : i32
    %convert_element_type3A_4 = arith.extui %eq3A_3 : i1 to i32
    %cond3A_5 = arith.constant 0 : i32
    %cond3A_6 = arith.cmpi ne, %convert_element_type3A_4, %cond3A_5 : i32
    scf.if %cond3A_6 {
      "tpu.region"() ({
        %run_scoped3A = tpu.sem_alloc : memref<!tpu.dma_semaphore, #tpu.memory_space<semaphore_mem>>
        %dma_start3A = arith.constant 9480 : i32
        %dma_start3A_33 = arith.constant 0 : i32
        %dma_start3A_34 = tpu.memref_slice %arg10[%dma_start3A, %dma_start3A_33] : memref<10000x128xf32, #tpu.memory_space<vmem_shared>> -> memref<520x128xf32, #tpu.memory_space<vmem_shared>>
        %dma_start3A_35 = arith.constant 0 : i32
        %dma_start3A_36 = arith.constant 0 : i32
        %dma_start3A_37 = tpu.memref_slice %arg5[%dma_start3A_35, %dma_start3A_36] : memref<632x128xf32, #tpu.memory_space<hbm>> -> memref<520x128xf32, #tpu.memory_space<hbm>>
        tpu.enqueue_dma source(%dma_start3A_37 : memref<520x128xf32, #tpu.memory_space<hbm>>) target(%dma_start3A_34 : memref<520x128xf32, #tpu.memory_space<vmem_shared>>) target_semaphore(%run_scoped3A : memref<!tpu.dma_semaphore, #tpu.memory_space<semaphore_mem>>)
        %dma_wait3A = arith.constant 9480 : i32
        %dma_wait3A_38 = arith.constant 0 : i32
        %dma_wait3A_39 = tpu.memref_slice %arg10[%dma_wait3A, %dma_wait3A_38] : memref<10000x128xf32, #tpu.memory_space<vmem_shared>> -> memref<520x128xf32, #tpu.memory_space<vmem_shared>>
        %dma_wait3A_40 = arith.constant 0 : i32
        %dma_wait3A_41 = arith.constant 0 : i32
        %dma_wait3A_42 = tpu.memref_slice %arg5[%dma_wait3A_40, %dma_wait3A_41] : memref<632x128xf32, #tpu.memory_space<hbm>> -> memref<520x128xf32, #tpu.memory_space<hbm>>
        tpu.wait_dma2 semaphore(%run_scoped3A : memref<!tpu.dma_semaphore, #tpu.memory_space<semaphore_mem>>) src(%dma_wait3A_42 : memref<520x128xf32, #tpu.memory_space<hbm>>) dst(%dma_wait3A_39 : memref<520x128xf32, #tpu.memory_space<vmem_shared>>)
        tpu.yield
      }) : () -> ()
    } else {
    }
    %barrier3A = arith.constant 0 : index
    tpu.barrier barrier_id(%barrier3A)
    %mul3A_7 = arith.constant 160000 : i32
    %mul3A_8 = arith.muli %arg0, %mul3A_7 : i32
    %mul3A_9 = arith.constant 10000 : i32
    %mul3A_10 = arith.muli %arg1, %mul3A_9 : i32
    %add3A = arith.addi %mul3A_8, %mul3A_10 : i32
    %mul3A_11 = arith.constant 10000 : i32
    %mul3A_12 = arith.muli %arg1, %mul3A_11 : i32
    %scan3A = arith.constant 0 : i32
    %scan3A_13 = arith.constant 0 : i32
    %scan3A_14 = arith.constant 125 : i32
    %scan3A_15 = arith.addi %scan3A_13, %scan3A_14 : i32
    %scan3A_16 = arith.constant 1 : i32
    scf.for %scan3A_33 = %scan3A_13 to %scan3A_15 step %scan3A_16  : i32 {
      %mul3A_34 = arith.constant 80 : i32
      %mul3A_35 = arith.muli %scan3A_33, %mul3A_34 : i32
      %add3A_36 = arith.addi %add3A, %mul3A_35 : i32
      "tpu.region"() ({
        %run_scoped3A = tpu.sem_alloc : memref<!tpu.dma_semaphore, #tpu.memory_space<semaphore_mem>>
        %dma_start3A_42 = tpu.memref_slice %arg3[%add3A_36] : memref<320000xi32, #tpu.memory_space<hbm>> -> memref<80xi32, #tpu.memory_space<hbm>>
        %dma_start3A_43 = tpu.memref_slice %arg3[%add3A_36] : memref<320000xi32, #tpu.memory_space<hbm>> -> memref<80xi32, #tpu.memory_space<hbm>>
        tpu.enqueue_dma source(%dma_start3A_43 : memref<80xi32, #tpu.memory_space<hbm>>) target(%arg7 : memref<80xi32, #tpu.memory_space<vmem>>) target_semaphore(%run_scoped3A : memref<!tpu.dma_semaphore, #tpu.memory_space<semaphore_mem>>)
        %dma_wait3A_44 = tpu.memref_slice %arg3[%add3A_36] : memref<320000xi32, #tpu.memory_space<hbm>> -> memref<80xi32, #tpu.memory_space<hbm>>
        %dma_wait3A_45 = tpu.memref_slice %arg3[%add3A_36] : memref<320000xi32, #tpu.memory_space<hbm>> -> memref<80xi32, #tpu.memory_space<hbm>>
        tpu.wait_dma2 semaphore(%run_scoped3A : memref<!tpu.dma_semaphore, #tpu.memory_space<semaphore_mem>>) src(%dma_wait3A_45 : memref<80xi32, #tpu.memory_space<hbm>>) dst(%arg7 : memref<80xi32, #tpu.memory_space<vmem>>)
        tpu.yield
      }) : () -> ()
      %add3A_37 = arith.addi %mul3A_12, %mul3A_35 : i32
      "tpu.region"() ({
        %run_scoped3A = tpu.sem_alloc : memref<!tpu.dma_semaphore, #tpu.memory_space<semaphore_mem>>
        %dma_start3A_42 = tpu.memref_slice %arg4[%add3A_37] : memref<160000xi32, #tpu.memory_space<hbm>> -> memref<80xi32, #tpu.memory_space<hbm>>
        %dma_start3A_43 = tpu.memref_slice %arg4[%add3A_37] : memref<160000xi32, #tpu.memory_space<hbm>> -> memref<80xi32, #tpu.memory_space<hbm>>
        tpu.enqueue_dma source(%dma_start3A_43 : memref<80xi32, #tpu.memory_space<hbm>>) target(%arg8 : memref<80xi32, #tpu.memory_space<vmem>>) target_semaphore(%run_scoped3A : memref<!tpu.dma_semaphore, #tpu.memory_space<semaphore_mem>>)
        %dma_wait3A_44 = tpu.memref_slice %arg4[%add3A_37] : memref<160000xi32, #tpu.memory_space<hbm>> -> memref<80xi32, #tpu.memory_space<hbm>>
        %dma_wait3A_45 = tpu.memref_slice %arg4[%add3A_37] : memref<160000xi32, #tpu.memory_space<hbm>> -> memref<80xi32, #tpu.memory_space<hbm>>
        tpu.wait_dma2 semaphore(%run_scoped3A : memref<!tpu.dma_semaphore, #tpu.memory_space<semaphore_mem>>) src(%dma_wait3A_45 : memref<80xi32, #tpu.memory_space<hbm>>) dst(%arg8 : memref<80xi32, #tpu.memory_space<vmem>>)
        tpu.yield
      }) : () -> ()
      %dma_start3A = arith.constant 0 : i32
      %dma_start3A_38 = arith.constant 0 : i32
      %dma_start3A_39 = tpu.memref_slice %arg2[%dma_start3A, %dma_start3A_38] : memref<20000x128xf32, #tpu.memory_space<hbm>> -> memref<20000x128xf32, #tpu.memory_space<hbm>>
      tpu.enqueue_indirect_dma source(%dma_start3A_39 : memref<20000x128xf32, #tpu.memory_space<hbm>>) target(%arg9 : memref<80x128xf32, #tpu.memory_space<vmem>>) offsets(%arg7 : memref<80xi32, #tpu.memory_space<vmem>>) semaphore(%arg11 : memref<!tpu.dma_semaphore, #tpu.memory_space<semaphore_mem>>)
      %dma_wait3A = arith.constant 0 : i32
      %dma_wait3A_40 = arith.constant 0 : i32
      %dma_wait3A_41 = tpu.memref_slice %arg2[%dma_wait3A, %dma_wait3A_40] : memref<20000x128xf32, #tpu.memory_space<hbm>> -> memref<20000x128xf32, #tpu.memory_space<hbm>>
      tpu.wait_indirect_dma semaphore(%arg11 : memref<!tpu.dma_semaphore, #tpu.memory_space<semaphore_mem>>) src(%dma_wait3A_41 : memref<20000x128xf32, #tpu.memory_space<hbm>>) dst(%arg9 : memref<80x128xf32, #tpu.memory_space<vmem>>)
      "tpu.region"() ({
        %run_scoped3A = tpu.sem_alloc : memref<!tpu.dma_semaphore, #tpu.memory_space<semaphore_mem>>
        %dma_start3A_42 = arith.constant 0 : i32
        %dma_start3A_43 = arith.constant 0 : i32
        %dma_start3A_44 = tpu.memref_slice %arg10[%dma_start3A_42, %dma_start3A_43] : memref<10000x128xf32, #tpu.memory_space<vmem_shared>> -> memref<10000x128xf32, #tpu.memory_space<vmem_shared>>
        tpu.enqueue_indirect_dma source(%arg9 : memref<80x128xf32, #tpu.memory_space<vmem>>) target(%dma_start3A_44 : memref<10000x128xf32, #tpu.memory_space<vmem_shared>>) offsets(%arg8 : memref<80xi32, #tpu.memory_space<vmem>>) semaphore(%run_scoped3A : memref<!tpu.dma_semaphore, #tpu.memory_space<semaphore_mem>>) {add = true}
        %dma_wait3A_45 = arith.constant 0 : i32
        %dma_wait3A_46 = arith.constant 0 : i32
        %dma_wait3A_47 = tpu.memref_slice %arg10[%dma_wait3A_45, %dma_wait3A_46] : memref<10000x128xf32, #tpu.memory_space<vmem_shared>> -> memref<10000x128xf32, #tpu.memory_space<vmem_shared>>
        tpu.wait_indirect_dma semaphore(%run_scoped3A : memref<!tpu.dma_semaphore, #tpu.memory_space<semaphore_mem>>) src(%arg9 : memref<80x128xf32, #tpu.memory_space<vmem>>) dst(%dma_wait3A_47 : memref<10000x128xf32, #tpu.memory_space<vmem_shared>>)
        tpu.yield
      }) : () -> ()
    }
    %scan3A_17 = arith.constant 125 : i32
    %barrier3A_18 = arith.constant 0 : index
    tpu.barrier barrier_id(%barrier3A_18)
    %mul3A_19 = arith.constant 10000 : i32
    %mul3A_20 = arith.muli %arg0, %mul3A_19 : i32
    %add3A_21 = arith.addi %mul3A_20, %multiple_of3A : i32
    %multiple_of3A_22 = tpu.assume_multiple %add3A_21, 8 : i32
    %lt3A_23 = arith.constant 15 : i32
    %lt3A_24 = arith.cmpi slt, %arg1, %lt3A_23 : i32
    %convert_element_type3A_25 = arith.extui %lt3A_24 : i1 to i32
    %cond3A_26 = arith.constant 0 : i32
    %cond3A_27 = arith.cmpi ne, %convert_element_type3A_25, %cond3A_26 : i32
    scf.if %cond3A_27 {
      "tpu.region"() ({
        %run_scoped3A = tpu.sem_alloc : memref<!tpu.dma_semaphore, #tpu.memory_space<semaphore_mem>>
        %dma_start3A = arith.constant 0 : i32
        %dma_start3A_33 = tpu.memref_slice %arg6[%multiple_of3A_22, %dma_start3A] : memref<20000x128xf32, #tpu.memory_space<hbm>> -> memref<632x128xf32, #tpu.memory_space<hbm>>
        %dma_start3A_34 = arith.constant 0 : i32
        %dma_start3A_35 = tpu.memref_slice %arg10[%multiple_of3A, %dma_start3A_34] : memref<10000x128xf32, #tpu.memory_space<vmem_shared>> -> memref<632x128xf32, #tpu.memory_space<vmem_shared>>
        tpu.enqueue_dma source(%dma_start3A_35 : memref<632x128xf32, #tpu.memory_space<vmem_shared>>) target(%dma_start3A_33 : memref<632x128xf32, #tpu.memory_space<hbm>>) target_semaphore(%run_scoped3A : memref<!tpu.dma_semaphore, #tpu.memory_space<semaphore_mem>>)
        %dma_wait3A = arith.constant 0 : i32
        %dma_wait3A_36 = tpu.memref_slice %arg6[%multiple_of3A_22, %dma_wait3A] : memref<20000x128xf32, #tpu.memory_space<hbm>> -> memref<632x128xf32, #tpu.memory_space<hbm>>
        %dma_wait3A_37 = arith.constant 0 : i32
        %dma_wait3A_38 = tpu.memref_slice %arg10[%multiple_of3A, %dma_wait3A_37] : memref<10000x128xf32, #tpu.memory_space<vmem_shared>> -> memref<632x128xf32, #tpu.memory_space<vmem_shared>>
        tpu.wait_dma2 semaphore(%run_scoped3A : memref<!tpu.dma_semaphore, #tpu.memory_space<semaphore_mem>>) src(%dma_wait3A_38 : memref<632x128xf32, #tpu.memory_space<vmem_shared>>) dst(%dma_wait3A_36 : memref<632x128xf32, #tpu.memory_space<hbm>>)
        tpu.yield
      }) : () -> ()
    } else {
    }
    %eq3A_28 = arith.constant 15 : i32
    %eq3A_29 = arith.cmpi eq, %arg1, %eq3A_28 : i32
    %convert_element_type3A_30 = arith.extui %eq3A_29 : i1 to i32
    %cond3A_31 = arith.constant 0 : i32
    %cond3A_32 = arith.cmpi ne, %convert_element_type3A_30, %cond3A_31 : i32
    scf.if %cond3A_32 {
      %mul3A_33 = arith.constant 10000 : i32
      %mul3A_34 = arith.muli %arg0, %mul3A_33 : i32
      %add3A_35 = arith.constant 9480 : i32
      %add3A_36 = arith.addi %mul3A_34, %add3A_35 : i32
      %multiple_of3A_37 = tpu.assume_multiple %add3A_36, 8 : i32
      "tpu.region"() ({
        %run_scoped3A = tpu.sem_alloc : memref<!tpu.dma_semaphore, #tpu.memory_space<semaphore_mem>>
        %dma_start3A = arith.constant 0 : i32
        %dma_start3A_38 = tpu.memref_slice %arg6[%multiple_of3A_37, %dma_start3A] : memref<20000x128xf32, #tpu.memory_space<hbm>> -> memref<520x128xf32, #tpu.memory_space<hbm>>
        %dma_start3A_39 = arith.constant 9480 : i32
        %dma_start3A_40 = arith.constant 0 : i32
        %dma_start3A_41 = tpu.memref_slice %arg10[%dma_start3A_39, %dma_start3A_40] : memref<10000x128xf32, #tpu.memory_space<vmem_shared>> -> memref<520x128xf32, #tpu.memory_space<vmem_shared>>
        tpu.enqueue_dma source(%dma_start3A_41 : memref<520x128xf32, #tpu.memory_space<vmem_shared>>) target(%dma_start3A_38 : memref<520x128xf32, #tpu.memory_space<hbm>>) target_semaphore(%run_scoped3A : memref<!tpu.dma_semaphore, #tpu.memory_space<semaphore_mem>>)
        %dma_wait3A = arith.constant 0 : i32
        %dma_wait3A_42 = tpu.memref_slice %arg6[%multiple_of3A_37, %dma_wait3A] : memref<20000x128xf32, #tpu.memory_space<hbm>> -> memref<520x128xf32, #tpu.memory_space<hbm>>
        %dma_wait3A_43 = arith.constant 9480 : i32
        %dma_wait3A_44 = arith.constant 0 : i32
        %dma_wait3A_45 = tpu.memref_slice %arg10[%dma_wait3A_43, %dma_wait3A_44] : memref<10000x128xf32, #tpu.memory_space<vmem_shared>> -> memref<520x128xf32, #tpu.memory_space<vmem_shared>>
        tpu.wait_dma2 semaphore(%run_scoped3A : memref<!tpu.dma_semaphore, #tpu.memory_space<semaphore_mem>>) src(%dma_wait3A_45 : memref<520x128xf32, #tpu.memory_space<vmem_shared>>) dst(%dma_wait3A_42 : memref<520x128xf32, #tpu.memory_space<hbm>>)
        tpu.yield
      }) : () -> ()
    } else {
    }
    return
  }
}

#map = affine_map<(d0, d1) -> (0, 0)>
#map1 = affine_map<(d0, d1) -> (0)>
module attributes {stable_mosaic.version = 14 : i64} {
  func.func @seg_sum(%arg0: i32, %arg1: i32, %arg2: memref<20000x128xf32, #tpu.memory_space<hbm>>, %arg3: memref<320000xi32, #tpu.memory_space<hbm>>, %arg4: memref<160000xi32, #tpu.memory_space<hbm>>, %arg5: memref<632x128xf32, #tpu.memory_space<hbm>>, %arg6: memref<20000x128xf32, #tpu.memory_space<hbm>>, %arg7: memref<80xi32, #tpu.memory_space<vmem>>, %arg8: memref<80xi32, #tpu.memory_space<vmem>>, %arg9: memref<80x128xf32, #tpu.memory_space<vmem>>, %arg10: memref<10000x128xf32, #tpu.memory_space<vmem_shared>>, %arg11: memref<!tpu.dma_semaphore, #tpu.memory_space<semaphore_mem>>) attributes {dimension_semantics = [#tpu.dimension_semantics<core_parallel>, #tpu.dimension_semantics<subcore_parallel>], iteration_bounds = array<i64: 2, 16>, scalar_prefetch = 0 : i64, scratch_operands = 5 : i64, tpu.core_type = #tpu.core_type<sc_vector_subcore>, window_params = [{transform_indices = #map}, {transform_indices = #map1}, {transform_indices = #map1}, {transform_indices = #map}, {transform_indices = #map}]} {
    %mul3A = arith.constant 632 : i32
    %mul3A_0 = arith.muli %arg1, %mul3A : i32
    %multiple_of3A = tpu.assume_multiple %mul3A_0, 8 : i32
    %lt3A = arith.constant 15 : i32
    %lt3A_1 = arith.cmpi slt, %arg1, %lt3A : i32
    %convert_element_type3A = arith.extui %lt3A_1 : i1 to i32
    %cond3A = arith.constant 0 : i32
    %cond3A_2 = arith.cmpi ne, %convert_element_type3A, %cond3A : i32
    scf.if %cond3A_2 {
      "tpu.region"() ({
        %run_scoped3A = tpu.sem_alloc : memref<!tpu.dma_semaphore, #tpu.memory_space<semaphore_mem>>
        %dma_start3A = arith.constant 0 : i32
        %dma_start3A_33 = tpu.memref_slice %arg10[%multiple_of3A, %dma_start3A] : memref<10000x128xf32, #tpu.memory_space<vmem_shared>> -> memref<632x128xf32, #tpu.memory_space<vmem_shared>>
        tpu.enqueue_dma source(%arg5 : memref<632x128xf32, #tpu.memory_space<hbm>>) target(%dma_start3A_33 : memref<632x128xf32, #tpu.memory_space<vmem_shared>>) target_semaphore(%run_scoped3A : memref<!tpu.dma_semaphore, #tpu.memory_space<semaphore_mem>>)
        %dma_wait3A = arith.constant 0 : i32
        %dma_wait3A_34 = tpu.memref_slice %arg10[%multiple_of3A, %dma_wait3A] : memref<10000x128xf32, #tpu.memory_space<vmem_shared>> -> memref<632x128xf32, #tpu.memory_space<vmem_shared>>
        tpu.wait_dma2 semaphore(%run_scoped3A : memref<!tpu.dma_semaphore, #tpu.memory_space<semaphore_mem>>) src(%arg5 : memref<632x128xf32, #tpu.memory_space<hbm>>) dst(%dma_wait3A_34 : memref<632x128xf32, #tpu.memory_space<vmem_shared>>)
        tpu.yield
      }) : () -> ()
    } else {
    }
    %eq3A = arith.constant 15 : i32
    %eq3A_3 = arith.cmpi eq, %arg1, %eq3A : i32
    %convert_element_type3A_4 = arith.extui %eq3A_3 : i1 to i32
    %cond3A_5 = arith.constant 0 : i32
    %cond3A_6 = arith.cmpi ne, %convert_element_type3A_4, %cond3A_5 : i32
    scf.if %cond3A_6 {
      "tpu.region"() ({
        %run_scoped3A = tpu.sem_alloc : memref<!tpu.dma_semaphore, #tpu.memory_space<semaphore_mem>>
        %dma_start3A = arith.constant 9480 : i32
        %dma_start3A_33 = arith.constant 0 : i32
        %dma_start3A_34 = tpu.memref_slice %arg10[%dma_start3A, %dma_start3A_33] : memref<10000x128xf32, #tpu.memory_space<vmem_shared>> -> memref<520x128xf32, #tpu.memory_space<vmem_shared>>
        %dma_start3A_35 = arith.constant 0 : i32
        %dma_start3A_36 = arith.constant 0 : i32
        %dma_start3A_37 = tpu.memref_slice %arg5[%dma_start3A_35, %dma_start3A_36] : memref<632x128xf32, #tpu.memory_space<hbm>> -> memref<520x128xf32, #tpu.memory_space<hbm>>
        tpu.enqueue_dma source(%dma_start3A_37 : memref<520x128xf32, #tpu.memory_space<hbm>>) target(%dma_start3A_34 : memref<520x128xf32, #tpu.memory_space<vmem_shared>>) target_semaphore(%run_scoped3A : memref<!tpu.dma_semaphore, #tpu.memory_space<semaphore_mem>>)
        %dma_wait3A = arith.constant 9480 : i32
        %dma_wait3A_38 = arith.constant 0 : i32
        %dma_wait3A_39 = tpu.memref_slice %arg10[%dma_wait3A, %dma_wait3A_38] : memref<10000x128xf32, #tpu.memory_space<vmem_shared>> -> memref<520x128xf32, #tpu.memory_space<vmem_shared>>
        %dma_wait3A_40 = arith.constant 0 : i32
        %dma_wait3A_41 = arith.constant 0 : i32
        %dma_wait3A_42 = tpu.memref_slice %arg5[%dma_wait3A_40, %dma_wait3A_41] : memref<632x128xf32, #tpu.memory_space<hbm>> -> memref<520x128xf32, #tpu.memory_space<hbm>>
        tpu.wait_dma2 semaphore(%run_scoped3A : memref<!tpu.dma_semaphore, #tpu.memory_space<semaphore_mem>>) src(%dma_wait3A_42 : memref<520x128xf32, #tpu.memory_space<hbm>>) dst(%dma_wait3A_39 : memref<520x128xf32, #tpu.memory_space<vmem_shared>>)
        tpu.yield
      }) : () -> ()
    } else {
    }
    %barrier3A = arith.constant 0 : index
    tpu.barrier barrier_id(%barrier3A)
    %mul3A_7 = arith.constant 160000 : i32
    %mul3A_8 = arith.muli %arg0, %mul3A_7 : i32
    %mul3A_9 = arith.constant 10000 : i32
    %mul3A_10 = arith.muli %arg1, %mul3A_9 : i32
    %add3A = arith.addi %mul3A_8, %mul3A_10 : i32
    %mul3A_11 = arith.constant 10000 : i32
    %mul3A_12 = arith.muli %arg1, %mul3A_11 : i32
    %scan3A = arith.constant 0 : i32
    %scan3A_13 = arith.constant 0 : i32
    %scan3A_14 = arith.constant 125 : i32
    %scan3A_15 = arith.addi %scan3A_13, %scan3A_14 : i32
    %scan3A_16 = arith.constant 1 : i32
    scf.for %scan3A_33 = %scan3A_13 to %scan3A_15 step %scan3A_16  : i32 {
      %mul3A_34 = arith.constant 80 : i32
      %mul3A_35 = arith.muli %scan3A_33, %mul3A_34 : i32
      %add3A_36 = arith.addi %add3A, %mul3A_35 : i32
      "tpu.region"() ({
        %run_scoped3A = tpu.sem_alloc : memref<!tpu.dma_semaphore, #tpu.memory_space<semaphore_mem>>
        %dma_start3A_42 = tpu.memref_slice %arg3[%add3A_36] : memref<320000xi32, #tpu.memory_space<hbm>> -> memref<80xi32, #tpu.memory_space<hbm>>
        %dma_start3A_43 = tpu.memref_slice %arg3[%add3A_36] : memref<320000xi32, #tpu.memory_space<hbm>> -> memref<80xi32, #tpu.memory_space<hbm>>
        tpu.enqueue_dma source(%dma_start3A_43 : memref<80xi32, #tpu.memory_space<hbm>>) target(%arg7 : memref<80xi32, #tpu.memory_space<vmem>>) target_semaphore(%run_scoped3A : memref<!tpu.dma_semaphore, #tpu.memory_space<semaphore_mem>>)
        %dma_wait3A_44 = tpu.memref_slice %arg3[%add3A_36] : memref<320000xi32, #tpu.memory_space<hbm>> -> memref<80xi32, #tpu.memory_space<hbm>>
        %dma_wait3A_45 = tpu.memref_slice %arg3[%add3A_36] : memref<320000xi32, #tpu.memory_space<hbm>> -> memref<80xi32, #tpu.memory_space<hbm>>
        tpu.wait_dma2 semaphore(%run_scoped3A : memref<!tpu.dma_semaphore, #tpu.memory_space<semaphore_mem>>) src(%dma_wait3A_45 : memref<80xi32, #tpu.memory_space<hbm>>) dst(%arg7 : memref<80xi32, #tpu.memory_space<vmem>>)
        tpu.yield
      }) : () -> ()
      %add3A_37 = arith.addi %mul3A_12, %mul3A_35 : i32
      "tpu.region"() ({
        %run_scoped3A = tpu.sem_alloc : memref<!tpu.dma_semaphore, #tpu.memory_space<semaphore_mem>>
        %dma_start3A_42 = tpu.memref_slice %arg4[%add3A_37] : memref<160000xi32, #tpu.memory_space<hbm>> -> memref<80xi32, #tpu.memory_space<hbm>>
        %dma_start3A_43 = tpu.memref_slice %arg4[%add3A_37] : memref<160000xi32, #tpu.memory_space<hbm>> -> memref<80xi32, #tpu.memory_space<hbm>>
        tpu.enqueue_dma source(%dma_start3A_43 : memref<80xi32, #tpu.memory_space<hbm>>) target(%arg8 : memref<80xi32, #tpu.memory_space<vmem>>) target_semaphore(%run_scoped3A : memref<!tpu.dma_semaphore, #tpu.memory_space<semaphore_mem>>)
        %dma_wait3A_44 = tpu.memref_slice %arg4[%add3A_37] : memref<160000xi32, #tpu.memory_space<hbm>> -> memref<80xi32, #tpu.memory_space<hbm>>
        %dma_wait3A_45 = tpu.memref_slice %arg4[%add3A_37] : memref<160000xi32, #tpu.memory_space<hbm>> -> memref<80xi32, #tpu.memory_space<hbm>>
        tpu.wait_dma2 semaphore(%run_scoped3A : memref<!tpu.dma_semaphore, #tpu.memory_space<semaphore_mem>>) src(%dma_wait3A_45 : memref<80xi32, #tpu.memory_space<hbm>>) dst(%arg8 : memref<80xi32, #tpu.memory_space<vmem>>)
        tpu.yield
      }) : () -> ()
      %dma_start3A = arith.constant 0 : i32
      %dma_start3A_38 = arith.constant 0 : i32
      %dma_start3A_39 = tpu.memref_slice %arg2[%dma_start3A, %dma_start3A_38] : memref<20000x128xf32, #tpu.memory_space<hbm>> -> memref<20000x128xf32, #tpu.memory_space<hbm>>
      tpu.enqueue_indirect_dma source(%dma_start3A_39 : memref<20000x128xf32, #tpu.memory_space<hbm>>) target(%arg9 : memref<80x128xf32, #tpu.memory_space<vmem>>) offsets(%arg7 : memref<80xi32, #tpu.memory_space<vmem>>) semaphore(%arg11 : memref<!tpu.dma_semaphore, #tpu.memory_space<semaphore_mem>>)
      %dma_wait3A = arith.constant 0 : i32
      %dma_wait3A_40 = arith.constant 0 : i32
      %dma_wait3A_41 = tpu.memref_slice %arg2[%dma_wait3A, %dma_wait3A_40] : memref<20000x128xf32, #tpu.memory_space<hbm>> -> memref<20000x128xf32, #tpu.memory_space<hbm>>
      tpu.wait_indirect_dma semaphore(%arg11 : memref<!tpu.dma_semaphore, #tpu.memory_space<semaphore_mem>>) src(%dma_wait3A_41 : memref<20000x128xf32, #tpu.memory_space<hbm>>) dst(%arg9 : memref<80x128xf32, #tpu.memory_space<vmem>>)
      "tpu.region"() ({
        %run_scoped3A = tpu.sem_alloc : memref<!tpu.dma_semaphore, #tpu.memory_space<semaphore_mem>>
        %dma_start3A_42 = arith.constant 0 : i32
        %dma_start3A_43 = arith.constant 0 : i32
        %dma_start3A_44 = tpu.memref_slice %arg10[%dma_start3A_42, %dma_start3A_43] : memref<10000x128xf32, #tpu.memory_space<vmem_shared>> -> memref<10000x128xf32, #tpu.memory_space<vmem_shared>>
        tpu.enqueue_indirect_dma source(%arg9 : memref<80x128xf32, #tpu.memory_space<vmem>>) target(%dma_start3A_44 : memref<10000x128xf32, #tpu.memory_space<vmem_shared>>) offsets(%arg8 : memref<80xi32, #tpu.memory_space<vmem>>) semaphore(%run_scoped3A : memref<!tpu.dma_semaphore, #tpu.memory_space<semaphore_mem>>) {add = true}
        %dma_wait3A_45 = arith.constant 0 : i32
        %dma_wait3A_46 = arith.constant 0 : i32
        %dma_wait3A_47 = tpu.memref_slice %arg10[%dma_wait3A_45, %dma_wait3A_46] : memref<10000x128xf32, #tpu.memory_space<vmem_shared>> -> memref<10000x128xf32, #tpu.memory_space<vmem_shared>>
        tpu.wait_indirect_dma semaphore(%run_scoped3A : memref<!tpu.dma_semaphore, #tpu.memory_space<semaphore_mem>>) src(%arg9 : memref<80x128xf32, #tpu.memory_space<vmem>>) dst(%dma_wait3A_47 : memref<10000x128xf32, #tpu.memory_space<vmem_shared>>)
        tpu.yield
      }) : () -> ()
    }
    %scan3A_17 = arith.constant 125 : i32
    %barrier3A_18 = arith.constant 0 : index
    tpu.barrier barrier_id(%barrier3A_18)
    %mul3A_19 = arith.constant 10000 : i32
    %mul3A_20 = arith.muli %arg0, %mul3A_19 : i32
    %add3A_21 = arith.addi %mul3A_20, %multiple_of3A : i32
    %multiple_of3A_22 = tpu.assume_multiple %add3A_21, 8 : i32
    %lt3A_23 = arith.constant 15 : i32
    %lt3A_24 = arith.cmpi slt, %arg1, %lt3A_23 : i32
    %convert_element_type3A_25 = arith.extui %lt3A_24 : i1 to i32
    %cond3A_26 = arith.constant 0 : i32
    %cond3A_27 = arith.cmpi ne, %convert_element_type3A_25, %cond3A_26 : i32
    scf.if %cond3A_27 {
      "tpu.region"() ({
        %run_scoped3A = tpu.sem_alloc : memref<!tpu.dma_semaphore, #tpu.memory_space<semaphore_mem>>
        %dma_start3A = arith.constant 0 : i32
        %dma_start3A_33 = tpu.memref_slice %arg6[%multiple_of3A_22, %dma_start3A] : memref<20000x128xf32, #tpu.memory_space<hbm>> -> memref<632x128xf32, #tpu.memory_space<hbm>>
        %dma_start3A_34 = arith.constant 0 : i32
        %dma_start3A_35 = tpu.memref_slice %arg10[%multiple_of3A, %dma_start3A_34] : memref<10000x128xf32, #tpu.memory_space<vmem_shared>> -> memref<632x128xf32, #tpu.memory_space<vmem_shared>>
        tpu.enqueue_dma source(%dma_start3A_35 : memref<632x128xf32, #tpu.memory_space<vmem_shared>>) target(%dma_start3A_33 : memref<632x128xf32, #tpu.memory_space<hbm>>) target_semaphore(%run_scoped3A : memref<!tpu.dma_semaphore, #tpu.memory_space<semaphore_mem>>)
        %dma_wait3A = arith.constant 0 : i32
        %dma_wait3A_36 = tpu.memref_slice %arg6[%multiple_of3A_22, %dma_wait3A] : memref<20000x128xf32, #tpu.memory_space<hbm>> -> memref<632x128xf32, #tpu.memory_space<hbm>>
        %dma_wait3A_37 = arith.constant 0 : i32
        %dma_wait3A_38 = tpu.memref_slice %arg10[%multiple_of3A, %dma_wait3A_37] : memref<10000x128xf32, #tpu.memory_space<vmem_shared>> -> memref<632x128xf32, #tpu.memory_space<vmem_shared>>
        tpu.wait_dma2 semaphore(%run_scoped3A : memref<!tpu.dma_semaphore, #tpu.memory_space<semaphore_mem>>) src(%dma_wait3A_38 : memref<632x128xf32, #tpu.memory_space<vmem_shared>>) dst(%dma_wait3A_36 : memref<632x128xf32, #tpu.memory_space<hbm>>)
        tpu.yield
      }) : () -> ()
    } else {
    }
    %eq3A_28 = arith.constant 15 : i32
    %eq3A_29 = arith.cmpi eq, %arg1, %eq3A_28 : i32
    %convert_element_type3A_30 = arith.extui %eq3A_29 : i1 to i32
    %cond3A_31 = arith.constant 0 : i32
    %cond3A_32 = arith.cmpi ne, %convert_element_type3A_30, %cond3A_31 : i32
    scf.if %cond3A_32 {
      %mul3A_33 = arith.constant 10000 : i32
      %mul3A_34 = arith.muli %arg0, %mul3A_33 : i32
      %add3A_35 = arith.constant 9480 : i32
      %add3A_36 = arith.addi %mul3A_34, %add3A_35 : i32
      %multiple_of3A_37 = tpu.assume_multiple %add3A_36, 8 : i32
      "tpu.region"() ({
        %run_scoped3A = tpu.sem_alloc : memref<!tpu.dma_semaphore, #tpu.memory_space<semaphore_mem>>
        %dma_start3A = arith.constant 0 : i32
        %dma_start3A_38 = tpu.memref_slice %arg6[%multiple_of3A_37, %dma_start3A] : memref<20000x128xf32, #tpu.memory_space<hbm>> -> memref<520x128xf32, #tpu.memory_space<hbm>>
        %dma_start3A_39 = arith.constant 9480 : i32
        %dma_start3A_40 = arith.constant 0 : i32
        %dma_start3A_41 = tpu.memref_slice %arg10[%dma_start3A_39, %dma_start3A_40] : memref<10000x128xf32, #tpu.memory_space<vmem_shared>> -> memref<520x128xf32, #tpu.memory_space<vmem_shared>>
        tpu.enqueue_dma source(%dma_start3A_41 : memref<520x128xf32, #tpu.memory_space<vmem_shared>>) target(%dma_start3A_38 : memref<520x128xf32, #tpu.memory_space<hbm>>) target_semaphore(%run_scoped3A : memref<!tpu.dma_semaphore, #tpu.memory_space<semaphore_mem>>)
        %dma_wait3A = arith.constant 0 : i32
        %dma_wait3A_42 = tpu.memref_slice %arg6[%multiple_of3A_37, %dma_wait3A] : memref<20000x128xf32, #tpu.memory_space<hbm>> -> memref<520x128xf32, #tpu.memory_space<hbm>>
        %dma_wait3A_43 = arith.constant 9480 : i32
        %dma_wait3A_44 = arith.constant 0 : i32
        %dma_wait3A_45 = tpu.memref_slice %arg10[%dma_wait3A_43, %dma_wait3A_44] : memref<10000x128xf32, #tpu.memory_space<vmem_shared>> -> memref<520x128xf32, #tpu.memory_space<vmem_shared>>
        tpu.wait_dma2 semaphore(%run_scoped3A : memref<!tpu.dma_semaphore, #tpu.memory_space<semaphore_mem>>) src(%dma_wait3A_45 : memref<520x128xf32, #tpu.memory_space<vmem_shared>>) dst(%dma_wait3A_42 : memref<520x128xf32, #tpu.memory_space<hbm>>)
        tpu.yield
      }) : () -> ()
    } else {
    }
    return
  }
}

module attributes {stable_mosaic.version = 14 : i64} {
  func.func @body(%arg0: i32, %arg1: i32, %arg2: memref<1x1xf32, #tpu.memory_space<smem>>, %arg3: memref<1000x256xf32, #tpu.memory_space<vmem>>, %arg4: memref<1000x128xf32, #tpu.memory_space<vmem>>, %arg5: memref<1000x128xf32, #tpu.memory_space<vmem>>, %arg6: memref<256x512xf32, #tpu.memory_space<vmem>>, %arg7: memref<1x512xf32, #tpu.memory_space<vmem>>, %arg8: memref<512x256xf32, #tpu.memory_space<vmem>>, %arg9: memref<1x256xf32, #tpu.memory_space<vmem>>, %arg10: memref<1x256xf32, #tpu.memory_space<vmem>>, %arg11: memref<1x256xf32, #tpu.memory_space<vmem>>, %arg12: memref<1000x256xf32, #tpu.memory_space<vmem>>, %arg13: memref<1000x256xf32, #tpu.memory_space<vmem>>, %arg14: memref<1000x256xf32, #tpu.memory_space<vmem>>, %arg15: memref<10000x256xf32, #tpu.memory_space<vmem>>, %arg16: memref<8x256xf32, #tpu.memory_space<vmem>>) attributes {dimension_semantics = [#tpu.dimension_semantics<arbitrary>, #tpu.dimension_semantics<arbitrary>], iteration_bounds = array<i64: 2, 10>, scalar_prefetch = 0 : i64, scratch_operands = 2 : i64, tpu.core_type = #tpu.core_type<tc>, window_params = [{transform_indices = @transform_0, window_bounds = array<i64: 1, 1>}, {transform_indices = @transform_1, window_bounds = array<i64: 1000, 256>}, {transform_indices = @transform_2, window_bounds = array<i64: 1000, 128>}, {transform_indices = @transform_3, window_bounds = array<i64: 1000, 128>}, {pipeline_mode = #tpu.pipeline_mode<synchronous>, transform_indices = @transform_4, window_bounds = array<i64: 256, 512>}, {pipeline_mode = #tpu.pipeline_mode<synchronous>, transform_indices = @transform_5, window_bounds = array<i64: 1, 512>}, {pipeline_mode = #tpu.pipeline_mode<synchronous>, transform_indices = @transform_6, window_bounds = array<i64: 512, 256>}, {pipeline_mode = #tpu.pipeline_mode<synchronous>, transform_indices = @transform_7, window_bounds = array<i64: 1, 256>}, {pipeline_mode = #tpu.pipeline_mode<synchronous>, transform_indices = @transform_8, window_bounds = array<i64: 1, 256>}, {pipeline_mode = #tpu.pipeline_mode<synchronous>, transform_indices = @transform_9, window_bounds = array<i64: 1, 256>}, {transform_indices = @transform_10, window_bounds = array<i64: 1000, 256>}, {transform_indices = @transform_11, window_bounds = array<i64: 1000, 256>}, {transform_indices = @transform_12, window_bounds = array<i64: 1000, 256>}]} {
    %eq3A = arith.constant 0 : i32
    %eq3A_0 = arith.cmpi eq, %arg0, %eq3A : i32
    %convert_element_type3A = arith.extui %eq3A_0 : i1 to i32
    %cond3A = arith.constant 0 : i32
    %cond3A_1 = arith.cmpi ne, %convert_element_type3A, %cond3A : i32
    scf.if %cond3A_1 {
      %eq3A_7 = arith.constant 0 : i32
      %eq3A_8 = arith.cmpi eq, %arg1, %eq3A_7 : i32
      %convert_element_type3A_9 = arith.extui %eq3A_8 : i1 to i32
      %cond3A_10 = arith.constant 0 : i32
      %cond3A_11 = arith.cmpi ne, %convert_element_type3A_9, %cond3A_10 : i32
      scf.if %cond3A_11 {
        %broadcast_in_dim3A_70 = arith.constant 0.000000e+00 : f32
        %broadcast_in_dim3A_71 = vector.broadcast %broadcast_in_dim3A_70 : f32 to vector<8x256xf32>
        %swap3A_72 = arith.constant 0 : index
        %swap3A_73 = arith.constant 0 : index
        %swap3A_74 = vector.load %arg16[%swap3A_72, %swap3A_73] : memref<8x256xf32, #tpu.memory_space<vmem>>, vector<8x256xf32>
        tpu.vector_store %arg16[%swap3A_72, %swap3A_73], %broadcast_in_dim3A_71 {strides = array<i32>} : memref<8x256xf32, #tpu.memory_space<vmem>>, vector<8x256xf32>,
      } else {
      }
      %get3A = arith.constant 0 : index
      %get3A_12 = arith.constant 0 : index
      %get3A_13 = vector.load %arg4[%get3A, %get3A_12] : memref<1000x128xf32, #tpu.memory_space<vmem>>, vector<1000x128xf32>
      %get3A_14 = arith.constant 0 : index
      %get3A_15 = arith.constant 0 : index
      %get3A_16 = vector.load %arg5[%get3A_14, %get3A_15] : memref<1000x128xf32, #tpu.memory_space<vmem>>, vector<1000x128xf32>
      %concatenate3A = tpu.concatenate %get3A_13, %get3A_16 in 1 : vector<1000x128xf32>, vector<1000x128xf32> -> vector<1000x256xf32>
      %get3A_17 = arith.constant 0 : index
      %get3A_18 = arith.constant 0 : index
      %get3A_19 = memref.load %arg2[%get3A_17, %get3A_18] : memref<1x1xf32, #tpu.memory_space<smem>>
      %add3A = arith.constant 1.000000e+00 : f32
      %add3A_20 = arith.addf %add3A, %get3A_19 : f32
      %get3A_21 = arith.constant 0 : index
      %get3A_22 = arith.constant 0 : index
      %get3A_23 = vector.load %arg3[%get3A_21, %get3A_22] : memref<1000x256xf32, #tpu.memory_space<vmem>>, vector<1000x256xf32>
      %mul3A = vector.broadcast %add3A_20 : f32 to vector<1000x256xf32>
      %mul3A_24 = arith.mulf %mul3A, %get3A_23 : vector<1000x256xf32>
      %add3A_25 = arith.addf %mul3A_24, %concatenate3A : vector<1000x256xf32>
      %get3A_26 = arith.constant 0 : index
      %get3A_27 = arith.constant 0 : index
      %get3A_28 = vector.load %arg6[%get3A_26, %get3A_27] : memref<256x512xf32, #tpu.memory_space<vmem>>, vector<256x512xf32>
      %dot_general3A = arith.constant dense<0.000000e+00> : vector<1000x512xf32>
      %dot_general3A_29 = tpu.matmul %add3A_25, %get3A_28, %dot_general3A {dimension_numbers = #tpu.dot_dimension_numbers<[1], [0], [0], [1], [0, 0, 1, 1], [], []>, transpose_lhs_hint = false} : vector<1000x256xf32>, vector<256x512xf32>, vector<1000x512xf32> -> vector<1000x512xf32>
      %get3A_30 = arith.constant 0 : index
      %get3A_31 = arith.constant 0 : index
      %get3A_32 = vector.load %arg7[%get3A_30, %get3A_31] : memref<1x512xf32, #tpu.memory_space<vmem>>, vector<1x512xf32>
      %add3A_33 = vector.broadcast %get3A_32 : vector<1x512xf32> to vector<1000x512xf32>
      %add3A_34 = arith.addf %dot_general3A_29, %add3A_33 : vector<1000x512xf32>
      %max3A = arith.constant 0.000000e+00 : f32
      %max3A_35 = vector.broadcast %max3A : f32 to vector<1000x512xf32>
      %max3A_36 = arith.maximumf %add3A_34, %max3A_35 : vector<1000x512xf32>
      %get3A_37 = arith.constant 0 : index
      %get3A_38 = arith.constant 0 : index
      %get3A_39 = vector.load %arg8[%get3A_37, %get3A_38] : memref<512x256xf32, #tpu.memory_space<vmem>>, vector<512x256xf32>
      %dot_general3A_40 = arith.constant dense<0.000000e+00> : vector<1000x256xf32>
      %dot_general3A_41 = tpu.matmul %max3A_36, %get3A_39, %dot_general3A_40 {dimension_numbers = #tpu.dot_dimension_numbers<[1], [0], [0], [1], [0, 0, 1, 1], [], []>, transpose_lhs_hint = false} : vector<1000x512xf32>, vector<512x256xf32>, vector<1000x256xf32> -> vector<1000x256xf32>
      %get3A_42 = arith.constant 0 : index
      %get3A_43 = arith.constant 0 : index
      %get3A_44 = vector.load %arg9[%get3A_42, %get3A_43] : memref<1x256xf32, #tpu.memory_space<vmem>>, vector<1x256xf32>
      %add3A_45 = vector.broadcast %get3A_44 : vector<1x256xf32> to vector<1000x256xf32>
      %add3A_46 = arith.addf %dot_general3A_41, %add3A_45 : vector<1000x256xf32>
      %mul3A_47 = arith.constant 1000 : i32
      %mul3A_48 = arith.muli %arg1, %mul3A_47 : i32
      %swap3A = arith.index_cast %mul3A_48 : i32 to index
      %swap3A_49 = arith.constant 0 : index
      %swap3A_50 = vector.load %arg15[%swap3A, %swap3A_49] : memref<10000x256xf32, #tpu.memory_space<vmem>>, vector<1000x256xf32>
      tpu.vector_store %arg15[%swap3A, %swap3A_49], %add3A_46 {strides = array<i32>} : memref<10000x256xf32, #tpu.memory_space<vmem>>, vector<1000x256xf32>,
      %get3A_51 = arith.constant 0 : index
      %get3A_52 = arith.constant 0 : index
      %get3A_53 = vector.load %arg16[%get3A_51, %get3A_52] : memref<8x256xf32, #tpu.memory_space<vmem>>, vector<1x256xf32>
      %reduce_sum3A = arith.constant dense<0.000000e+00> : vector<256xf32>
      %reduce_sum3A_54 = vector.multi_reduction <add>, %add3A_46, %reduce_sum3A [0] : vector<1000x256xf32> to vector<256xf32>
      %broadcast_in_dim3A = vector.shape_cast %reduce_sum3A_54 : vector<256xf32> to vector<1x256xf32>
      %add3A_55 = arith.addf %get3A_53, %broadcast_in_dim3A : vector<1x256xf32>
      %swap3A_56 = arith.constant 0 : index
      %swap3A_57 = arith.constant 0 : index
      %swap3A_58 = vector.load %arg16[%swap3A_56, %swap3A_57] : memref<8x256xf32, #tpu.memory_space<vmem>>, vector<1x256xf32>
      tpu.vector_store %arg16[%swap3A_56, %swap3A_57], %add3A_55 {strides = array<i32>} : memref<8x256xf32, #tpu.memory_space<vmem>>, vector<1x256xf32>,
      %get3A_59 = arith.constant 1 : index
      %get3A_60 = arith.constant 0 : index
      %get3A_61 = vector.load %arg16[%get3A_59, %get3A_60] : memref<8x256xf32, #tpu.memory_space<vmem>>, vector<1x256xf32>
      %mul3A_62 = arith.mulf %add3A_46, %add3A_46 : vector<1000x256xf32>
      %reduce_sum3A_63 = arith.constant dense<0.000000e+00> : vector<256xf32>
      %reduce_sum3A_64 = vector.multi_reduction <add>, %mul3A_62, %reduce_sum3A_63 [0] : vector<1000x256xf32> to vector<256xf32>
      %broadcast_in_dim3A_65 = vector.shape_cast %reduce_sum3A_64 : vector<256xf32> to vector<1x256xf32>
      %add3A_66 = arith.addf %get3A_61, %broadcast_in_dim3A_65 : vector<1x256xf32>
      %swap3A_67 = arith.constant 1 : index
      %swap3A_68 = arith.constant 0 : index
      %swap3A_69 = vector.load %arg16[%swap3A_67, %swap3A_68] : memref<8x256xf32, #tpu.memory_space<vmem>>, vector<1x256xf32>
      tpu.vector_store %arg16[%swap3A_67, %swap3A_68], %add3A_66 {strides = array<i32>} : memref<8x256xf32, #tpu.memory_space<vmem>>, vector<1x256xf32>,
    } else {
    }
    %eq3A_2 = arith.constant 1 : i32
    %eq3A_3 = arith.cmpi eq, %arg0, %eq3A_2 : i32
    %convert_element_type3A_4 = arith.extui %eq3A_3 : i1 to i32
    %cond3A_5 = arith.constant 0 : i32
    %cond3A_6 = arith.cmpi ne, %convert_element_type3A_4, %cond3A_5 : i32
    scf.if %cond3A_6 {
      %get3A = arith.constant 0 : index
      %get3A_7 = arith.constant 0 : index
      %get3A_8 = vector.load %arg16[%get3A, %get3A_7] : memref<8x256xf32, #tpu.memory_space<vmem>>, vector<1x256xf32>
      %mul3A = arith.constant 9.99999974E-5 : f32
      %mul3A_9 = vector.broadcast %mul3A : f32 to vector<1x256xf32>
      %mul3A_10 = arith.mulf %get3A_8, %mul3A_9 : vector<1x256xf32>
      %get3A_11 = arith.constant 1 : index
      %get3A_12 = arith.constant 0 : index
      %get3A_13 = vector.load %arg16[%get3A_11, %get3A_12] : memref<8x256xf32, #tpu.memory_space<vmem>>, vector<1x256xf32>
      %mul3A_14 = arith.constant 9.99999974E-5 : f32
      %mul3A_15 = vector.broadcast %mul3A_14 : f32 to vector<1x256xf32>
      %mul3A_16 = arith.mulf %get3A_13, %mul3A_15 : vector<1x256xf32>
      %mul3A_17 = arith.mulf %mul3A_10, %mul3A_10 : vector<1x256xf32>
      %sub3A = arith.subf %mul3A_16, %mul3A_17 : vector<1x256xf32>
      %add3A = arith.constant 9.99999974E-6 : f32
      %add3A_18 = vector.broadcast %add3A : f32 to vector<1x256xf32>
      %add3A_19 = arith.addf %sub3A, %add3A_18 : vector<1x256xf32>
      %rsqrt3A = math.rsqrt %add3A_19 : vector<1x256xf32>
      %mul3A_20 = arith.constant 1000 : i32
      %mul3A_21 = arith.muli %arg1, %mul3A_20 : i32
      %get3A_22 = arith.index_cast %mul3A_21 : i32 to index
      %get3A_23 = arith.constant 0 : index
      %get3A_24 = vector.load %arg15[%get3A_22, %get3A_23] : memref<10000x256xf32, #tpu.memory_space<vmem>>, vector<1000x256xf32>
      %sub3A_25 = vector.broadcast %mul3A_10 : vector<1x256xf32> to vector<1000x256xf32>
      %sub3A_26 = arith.subf %get3A_24, %sub3A_25 : vector<1000x256xf32>
      %get3A_27 = arith.constant 0 : index
      %get3A_28 = arith.constant 0 : index
      %get3A_29 = vector.load %arg10[%get3A_27, %get3A_28] : memref<1x256xf32, #tpu.memory_space<vmem>>, vector<1x256xf32>
      %mul3A_30 = arith.mulf %rsqrt3A, %get3A_29 : vector<1x256xf32>
      %mul3A_31 = vector.broadcast %mul3A_30 : vector<1x256xf32> to vector<1000x256xf32>
      %mul3A_32 = arith.mulf %sub3A_26, %mul3A_31 : vector<1000x256xf32>
      %get3A_33 = arith.constant 0 : index
      %get3A_34 = arith.constant 0 : index
      %get3A_35 = vector.load %arg11[%get3A_33, %get3A_34] : memref<1x256xf32, #tpu.memory_space<vmem>>, vector<1x256xf32>
      %add3A_36 = vector.broadcast %get3A_35 : vector<1x256xf32> to vector<1000x256xf32>
      %add3A_37 = arith.addf %mul3A_32, %add3A_36 : vector<1000x256xf32>
      %max3A = arith.constant 0.000000e+00 : f32
      %max3A_38 = vector.broadcast %max3A : f32 to vector<1000x256xf32>
      %max3A_39 = arith.maximumf %add3A_37, %max3A_38 : vector<1000x256xf32>
      %swap3A = arith.constant 0 : index
      %swap3A_40 = arith.constant 0 : index
      %swap3A_41 = vector.load %arg13[%swap3A, %swap3A_40] : memref<1000x256xf32, #tpu.memory_space<vmem>>, vector<1000x256xf32>
      tpu.vector_store %arg13[%swap3A, %swap3A_40], %max3A_39 {strides = array<i32>} : memref<1000x256xf32, #tpu.memory_space<vmem>>, vector<1000x256xf32>,
      %get3A_42 = arith.constant 0 : index
      %get3A_43 = arith.constant 0 : index
      %get3A_44 = vector.load %arg12[%get3A_42, %get3A_43] : memref<1000x256xf32, #tpu.memory_space<vmem>>, vector<1000x256xf32>
      %max3A_45 = arith.maximumf %get3A_44, %max3A_39 : vector<1000x256xf32>
      %swap3A_46 = arith.constant 0 : index
      %swap3A_47 = arith.constant 0 : index
      %swap3A_48 = vector.load %arg14[%swap3A_46, %swap3A_47] : memref<1000x256xf32, #tpu.memory_space<vmem>>, vector<1000x256xf32>
      tpu.vector_store %arg14[%swap3A_46, %swap3A_47], %max3A_45 {strides = array<i32>} : memref<1000x256xf32, #tpu.memory_space<vmem>>, vector<1000x256xf32>,
    } else {
    }
    return
  }
  func.func @transform_0(%arg0: i32, %arg1: i32) -> (i32, i32) {
    %c0_i32 = arith.constant 0 : i32
    %c0_i32_0 = arith.constant 0 : i32
    %c0_i32_1 = arith.constant 0 : i32
    return %c0_i32, %c0_i32_0 : i32, i32
  }
  func.func @transform_1(%arg0: i32, %arg1: i32) -> (i32, i32) {
    %eq3A = arith.constant 0 : i32
    %eq3A_0 = arith.cmpi eq, %arg0, %eq3A : i32
    %jit3A = arith.constant 0 : i32
    %select_n3A = arith.select %eq3A_0, %arg1, %jit3A : i32
    %c0_i32 = arith.constant 0 : i32
    %c0_i32_1 = arith.constant 0 : i32
    return %select_n3A, %c0_i32 : i32, i32
  }
  func.func @transform_2(%arg0: i32, %arg1: i32) -> (i32, i32) {
    %eq3A = arith.constant 0 : i32
    %eq3A_0 = arith.cmpi eq, %arg0, %eq3A : i32
    %jit3A = arith.constant 0 : i32
    %select_n3A = arith.select %eq3A_0, %arg1, %jit3A : i32
    %c0_i32 = arith.constant 0 : i32
    %c0_i32_1 = arith.constant 0 : i32
    return %select_n3A, %c0_i32 : i32, i32
  }
  func.func @transform_3(%arg0: i32, %arg1: i32) -> (i32, i32) {
    %eq3A = arith.constant 0 : i32
    %eq3A_0 = arith.cmpi eq, %arg0, %eq3A : i32
    %add3A = arith.constant 10 : i32
    %add3A_1 = arith.addi %arg1, %add3A : i32
    %jit3A = arith.constant 10 : i32
    %select_n3A = arith.select %eq3A_0, %add3A_1, %jit3A : i32
    %c0_i32 = arith.constant 0 : i32
    %c0_i32_2 = arith.constant 0 : i32
    return %select_n3A, %c0_i32 : i32, i32
  }
  func.func @transform_4(%arg0: i32, %arg1: i32) -> (i32, i32) {
    %c0_i32 = arith.constant 0 : i32
    %c0_i32_0 = arith.constant 0 : i32
    %c0_i32_1 = arith.constant 0 : i32
    return %c0_i32, %c0_i32_0 : i32, i32
  }
  func.func @transform_5(%arg0: i32, %arg1: i32) -> (i32, i32) {
    %c0_i32 = arith.constant 0 : i32
    %c0_i32_0 = arith.constant 0 : i32
    %c0_i32_1 = arith.constant 0 : i32
    return %c0_i32, %c0_i32_0 : i32, i32
  }
  func.func @transform_6(%arg0: i32, %arg1: i32) -> (i32, i32) {
    %c0_i32 = arith.constant 0 : i32
    %c0_i32_0 = arith.constant 0 : i32
    %c0_i32_1 = arith.constant 0 : i32
    return %c0_i32, %c0_i32_0 : i32, i32
  }
  func.func @transform_7(%arg0: i32, %arg1: i32) -> (i32, i32) {
    %c0_i32 = arith.constant 0 : i32
    %c0_i32_0 = arith.constant 0 : i32
    %c0_i32_1 = arith.constant 0 : i32
    return %c0_i32, %c0_i32_0 : i32, i32
  }
  func.func @transform_8(%arg0: i32, %arg1: i32) -> (i32, i32) {
    %c0_i32 = arith.constant 0 : i32
    %c0_i32_0 = arith.constant 0 : i32
    %c0_i32_1 = arith.constant 0 : i32
    return %c0_i32, %c0_i32_0 : i32, i32
  }
  func.func @transform_9(%arg0: i32, %arg1: i32) -> (i32, i32) {
    %c0_i32 = arith.constant 0 : i32
    %c0_i32_0 = arith.constant 0 : i32
    %c0_i32_1 = arith.constant 0 : i32
    return %c0_i32, %c0_i32_0 : i32, i32
  }
  func.func @transform_10(%arg0: i32, %arg1: i32) -> (i32, i32) {
    %eq3A = arith.constant 1 : i32
    %eq3A_0 = arith.cmpi eq, %arg0, %eq3A : i32
    %jit3A = arith.constant 0 : i32
    %select_n3A = arith.select %eq3A_0, %arg1, %jit3A : i32
    %c0_i32 = arith.constant 0 : i32
    %c0_i32_1 = arith.constant 0 : i32
    return %select_n3A, %c0_i32 : i32, i32
  }
  func.func @transform_11(%arg0: i32, %arg1: i32) -> (i32, i32) {
    %eq3A = arith.constant 1 : i32
    %eq3A_0 = arith.cmpi eq, %arg0, %eq3A : i32
    %jit3A = arith.constant 0 : i32
    %select_n3A = arith.select %eq3A_0, %arg1, %jit3A : i32
    %c0_i32 = arith.constant 0 : i32
    %c0_i32_1 = arith.constant 0 : i32
    return %select_n3A, %c0_i32 : i32, i32
  }
  func.func @transform_12(%arg0: i32, %arg1: i32) -> (i32, i32) {
    %eq3A = arith.constant 1 : i32
    %eq3A_0 = arith.cmpi eq, %arg0, %eq3A : i32
    %jit3A = arith.constant 0 : i32
    %select_n3A = arith.select %eq3A_0, %arg1, %jit3A : i32
    %c0_i32 = arith.constant 0 : i32
    %c0_i32_1 = arith.constant 0 : i32
    return %select_n3A, %c0_i32 : i32, i32
  }
}

module attributes {stable_mosaic.version = 14 : i64} {
  func.func @body(%arg0: i32, %arg1: i32, %arg2: memref<1x1xf32, #tpu.memory_space<smem>>, %arg3: memref<1000x256xf32, #tpu.memory_space<vmem>>, %arg4: memref<1000x128xf32, #tpu.memory_space<vmem>>, %arg5: memref<1000x128xf32, #tpu.memory_space<vmem>>, %arg6: memref<256x512xf32, #tpu.memory_space<vmem>>, %arg7: memref<1x512xf32, #tpu.memory_space<vmem>>, %arg8: memref<512x256xf32, #tpu.memory_space<vmem>>, %arg9: memref<1x256xf32, #tpu.memory_space<vmem>>, %arg10: memref<1x256xf32, #tpu.memory_space<vmem>>, %arg11: memref<1x256xf32, #tpu.memory_space<vmem>>, %arg12: memref<1000x256xf32, #tpu.memory_space<vmem>>, %arg13: memref<1000x256xf32, #tpu.memory_space<vmem>>, %arg14: memref<1000x256xf32, #tpu.memory_space<vmem>>, %arg15: memref<10000x256xf32, #tpu.memory_space<vmem>>, %arg16: memref<8x256xf32, #tpu.memory_space<vmem>>) attributes {dimension_semantics = [#tpu.dimension_semantics<arbitrary>, #tpu.dimension_semantics<arbitrary>], iteration_bounds = array<i64: 2, 10>, scalar_prefetch = 0 : i64, scratch_operands = 2 : i64, tpu.core_type = #tpu.core_type<tc>, window_params = [{transform_indices = @transform_0, window_bounds = array<i64: 1, 1>}, {transform_indices = @transform_1, window_bounds = array<i64: 1000, 256>}, {transform_indices = @transform_2, window_bounds = array<i64: 1000, 128>}, {transform_indices = @transform_3, window_bounds = array<i64: 1000, 128>}, {pipeline_mode = #tpu.pipeline_mode<synchronous>, transform_indices = @transform_4, window_bounds = array<i64: 256, 512>}, {pipeline_mode = #tpu.pipeline_mode<synchronous>, transform_indices = @transform_5, window_bounds = array<i64: 1, 512>}, {pipeline_mode = #tpu.pipeline_mode<synchronous>, transform_indices = @transform_6, window_bounds = array<i64: 512, 256>}, {pipeline_mode = #tpu.pipeline_mode<synchronous>, transform_indices = @transform_7, window_bounds = array<i64: 1, 256>}, {pipeline_mode = #tpu.pipeline_mode<synchronous>, transform_indices = @transform_8, window_bounds = array<i64: 1, 256>}, {pipeline_mode = #tpu.pipeline_mode<synchronous>, transform_indices = @transform_9, window_bounds = array<i64: 1, 256>}, {transform_indices = @transform_10, window_bounds = array<i64: 1000, 256>}, {transform_indices = @transform_11, window_bounds = array<i64: 1000, 256>}, {transform_indices = @transform_12, window_bounds = array<i64: 1000, 256>}]} {
    %eq3A = arith.constant 0 : i32
    %eq3A_0 = arith.cmpi eq, %arg0, %eq3A : i32
    %convert_element_type3A = arith.extui %eq3A_0 : i1 to i32
    %cond3A = arith.constant 0 : i32
    %cond3A_1 = arith.cmpi ne, %convert_element_type3A, %cond3A : i32
    scf.if %cond3A_1 {
      %eq3A_7 = arith.constant 0 : i32
      %eq3A_8 = arith.cmpi eq, %arg1, %eq3A_7 : i32
      %convert_element_type3A_9 = arith.extui %eq3A_8 : i1 to i32
      %cond3A_10 = arith.constant 0 : i32
      %cond3A_11 = arith.cmpi ne, %convert_element_type3A_9, %cond3A_10 : i32
      scf.if %cond3A_11 {
        %broadcast_in_dim3A_70 = arith.constant 0.000000e+00 : f32
        %broadcast_in_dim3A_71 = vector.broadcast %broadcast_in_dim3A_70 : f32 to vector<8x256xf32>
        %swap3A_72 = arith.constant 0 : index
        %swap3A_73 = arith.constant 0 : index
        %swap3A_74 = vector.load %arg16[%swap3A_72, %swap3A_73] : memref<8x256xf32, #tpu.memory_space<vmem>>, vector<8x256xf32>
        tpu.vector_store %arg16[%swap3A_72, %swap3A_73], %broadcast_in_dim3A_71 {strides = array<i32>} : memref<8x256xf32, #tpu.memory_space<vmem>>, vector<8x256xf32>,
      } else {
      }
      %get3A = arith.constant 0 : index
      %get3A_12 = arith.constant 0 : index
      %get3A_13 = vector.load %arg4[%get3A, %get3A_12] : memref<1000x128xf32, #tpu.memory_space<vmem>>, vector<1000x128xf32>
      %get3A_14 = arith.constant 0 : index
      %get3A_15 = arith.constant 0 : index
      %get3A_16 = vector.load %arg5[%get3A_14, %get3A_15] : memref<1000x128xf32, #tpu.memory_space<vmem>>, vector<1000x128xf32>
      %concatenate3A = tpu.concatenate %get3A_13, %get3A_16 in 1 : vector<1000x128xf32>, vector<1000x128xf32> -> vector<1000x256xf32>
      %get3A_17 = arith.constant 0 : index
      %get3A_18 = arith.constant 0 : index
      %get3A_19 = memref.load %arg2[%get3A_17, %get3A_18] : memref<1x1xf32, #tpu.memory_space<smem>>
      %add3A = arith.constant 1.000000e+00 : f32
      %add3A_20 = arith.addf %add3A, %get3A_19 : f32
      %get3A_21 = arith.constant 0 : index
      %get3A_22 = arith.constant 0 : index
      %get3A_23 = vector.load %arg3[%get3A_21, %get3A_22] : memref<1000x256xf32, #tpu.memory_space<vmem>>, vector<1000x256xf32>
      %mul3A = vector.broadcast %add3A_20 : f32 to vector<1000x256xf32>
      %mul3A_24 = arith.mulf %mul3A, %get3A_23 : vector<1000x256xf32>
      %add3A_25 = arith.addf %mul3A_24, %concatenate3A : vector<1000x256xf32>
      %get3A_26 = arith.constant 0 : index
      %get3A_27 = arith.constant 0 : index
      %get3A_28 = vector.load %arg6[%get3A_26, %get3A_27] : memref<256x512xf32, #tpu.memory_space<vmem>>, vector<256x512xf32>
      %dot_general3A = arith.constant dense<0.000000e+00> : vector<1000x512xf32>
      %dot_general3A_29 = tpu.matmul %add3A_25, %get3A_28, %dot_general3A {dimension_numbers = #tpu.dot_dimension_numbers<[1], [0], [0], [1], [0, 0, 1, 1], [], []>, transpose_lhs_hint = false} : vector<1000x256xf32>, vector<256x512xf32>, vector<1000x512xf32> -> vector<1000x512xf32>
      %get3A_30 = arith.constant 0 : index
      %get3A_31 = arith.constant 0 : index
      %get3A_32 = vector.load %arg7[%get3A_30, %get3A_31] : memref<1x512xf32, #tpu.memory_space<vmem>>, vector<1x512xf32>
      %add3A_33 = vector.broadcast %get3A_32 : vector<1x512xf32> to vector<1000x512xf32>
      %add3A_34 = arith.addf %dot_general3A_29, %add3A_33 : vector<1000x512xf32>
      %max3A = arith.constant 0.000000e+00 : f32
      %max3A_35 = vector.broadcast %max3A : f32 to vector<1000x512xf32>
      %max3A_36 = arith.maximumf %add3A_34, %max3A_35 : vector<1000x512xf32>
      %get3A_37 = arith.constant 0 : index
      %get3A_38 = arith.constant 0 : index
      %get3A_39 = vector.load %arg8[%get3A_37, %get3A_38] : memref<512x256xf32, #tpu.memory_space<vmem>>, vector<512x256xf32>
      %dot_general3A_40 = arith.constant dense<0.000000e+00> : vector<1000x256xf32>
      %dot_general3A_41 = tpu.matmul %max3A_36, %get3A_39, %dot_general3A_40 {dimension_numbers = #tpu.dot_dimension_numbers<[1], [0], [0], [1], [0, 0, 1, 1], [], []>, transpose_lhs_hint = false} : vector<1000x512xf32>, vector<512x256xf32>, vector<1000x256xf32> -> vector<1000x256xf32>
      %get3A_42 = arith.constant 0 : index
      %get3A_43 = arith.constant 0 : index
      %get3A_44 = vector.load %arg9[%get3A_42, %get3A_43] : memref<1x256xf32, #tpu.memory_space<vmem>>, vector<1x256xf32>
      %add3A_45 = vector.broadcast %get3A_44 : vector<1x256xf32> to vector<1000x256xf32>
      %add3A_46 = arith.addf %dot_general3A_41, %add3A_45 : vector<1000x256xf32>
      %mul3A_47 = arith.constant 1000 : i32
      %mul3A_48 = arith.muli %arg1, %mul3A_47 : i32
      %swap3A = arith.index_cast %mul3A_48 : i32 to index
      %swap3A_49 = arith.constant 0 : index
      %swap3A_50 = vector.load %arg15[%swap3A, %swap3A_49] : memref<10000x256xf32, #tpu.memory_space<vmem>>, vector<1000x256xf32>
      tpu.vector_store %arg15[%swap3A, %swap3A_49], %add3A_46 {strides = array<i32>} : memref<10000x256xf32, #tpu.memory_space<vmem>>, vector<1000x256xf32>,
      %get3A_51 = arith.constant 0 : index
      %get3A_52 = arith.constant 0 : index
      %get3A_53 = vector.load %arg16[%get3A_51, %get3A_52] : memref<8x256xf32, #tpu.memory_space<vmem>>, vector<1x256xf32>
      %reduce_sum3A = arith.constant dense<0.000000e+00> : vector<256xf32>
      %reduce_sum3A_54 = vector.multi_reduction <add>, %add3A_46, %reduce_sum3A [0] : vector<1000x256xf32> to vector<256xf32>
      %broadcast_in_dim3A = vector.shape_cast %reduce_sum3A_54 : vector<256xf32> to vector<1x256xf32>
      %add3A_55 = arith.addf %get3A_53, %broadcast_in_dim3A : vector<1x256xf32>
      %swap3A_56 = arith.constant 0 : index
      %swap3A_57 = arith.constant 0 : index
      %swap3A_58 = vector.load %arg16[%swap3A_56, %swap3A_57] : memref<8x256xf32, #tpu.memory_space<vmem>>, vector<1x256xf32>
      tpu.vector_store %arg16[%swap3A_56, %swap3A_57], %add3A_55 {strides = array<i32>} : memref<8x256xf32, #tpu.memory_space<vmem>>, vector<1x256xf32>,
      %get3A_59 = arith.constant 1 : index
      %get3A_60 = arith.constant 0 : index
      %get3A_61 = vector.load %arg16[%get3A_59, %get3A_60] : memref<8x256xf32, #tpu.memory_space<vmem>>, vector<1x256xf32>
      %mul3A_62 = arith.mulf %add3A_46, %add3A_46 : vector<1000x256xf32>
      %reduce_sum3A_63 = arith.constant dense<0.000000e+00> : vector<256xf32>
      %reduce_sum3A_64 = vector.multi_reduction <add>, %mul3A_62, %reduce_sum3A_63 [0] : vector<1000x256xf32> to vector<256xf32>
      %broadcast_in_dim3A_65 = vector.shape_cast %reduce_sum3A_64 : vector<256xf32> to vector<1x256xf32>
      %add3A_66 = arith.addf %get3A_61, %broadcast_in_dim3A_65 : vector<1x256xf32>
      %swap3A_67 = arith.constant 1 : index
      %swap3A_68 = arith.constant 0 : index
      %swap3A_69 = vector.load %arg16[%swap3A_67, %swap3A_68] : memref<8x256xf32, #tpu.memory_space<vmem>>, vector<1x256xf32>
      tpu.vector_store %arg16[%swap3A_67, %swap3A_68], %add3A_66 {strides = array<i32>} : memref<8x256xf32, #tpu.memory_space<vmem>>, vector<1x256xf32>,
    } else {
    }
    %eq3A_2 = arith.constant 1 : i32
    %eq3A_3 = arith.cmpi eq, %arg0, %eq3A_2 : i32
    %convert_element_type3A_4 = arith.extui %eq3A_3 : i1 to i32
    %cond3A_5 = arith.constant 0 : i32
    %cond3A_6 = arith.cmpi ne, %convert_element_type3A_4, %cond3A_5 : i32
    scf.if %cond3A_6 {
      %get3A = arith.constant 0 : index
      %get3A_7 = arith.constant 0 : index
      %get3A_8 = vector.load %arg16[%get3A, %get3A_7] : memref<8x256xf32, #tpu.memory_space<vmem>>, vector<1x256xf32>
      %mul3A = arith.constant 9.99999974E-5 : f32
      %mul3A_9 = vector.broadcast %mul3A : f32 to vector<1x256xf32>
      %mul3A_10 = arith.mulf %get3A_8, %mul3A_9 : vector<1x256xf32>
      %get3A_11 = arith.constant 1 : index
      %get3A_12 = arith.constant 0 : index
      %get3A_13 = vector.load %arg16[%get3A_11, %get3A_12] : memref<8x256xf32, #tpu.memory_space<vmem>>, vector<1x256xf32>
      %mul3A_14 = arith.constant 9.99999974E-5 : f32
      %mul3A_15 = vector.broadcast %mul3A_14 : f32 to vector<1x256xf32>
      %mul3A_16 = arith.mulf %get3A_13, %mul3A_15 : vector<1x256xf32>
      %mul3A_17 = arith.mulf %mul3A_10, %mul3A_10 : vector<1x256xf32>
      %sub3A = arith.subf %mul3A_16, %mul3A_17 : vector<1x256xf32>
      %add3A = arith.constant 9.99999974E-6 : f32
      %add3A_18 = vector.broadcast %add3A : f32 to vector<1x256xf32>
      %add3A_19 = arith.addf %sub3A, %add3A_18 : vector<1x256xf32>
      %rsqrt3A = math.rsqrt %add3A_19 : vector<1x256xf32>
      %mul3A_20 = arith.constant 1000 : i32
      %mul3A_21 = arith.muli %arg1, %mul3A_20 : i32
      %get3A_22 = arith.index_cast %mul3A_21 : i32 to index
      %get3A_23 = arith.constant 0 : index
      %get3A_24 = vector.load %arg15[%get3A_22, %get3A_23] : memref<10000x256xf32, #tpu.memory_space<vmem>>, vector<1000x256xf32>
      %sub3A_25 = vector.broadcast %mul3A_10 : vector<1x256xf32> to vector<1000x256xf32>
      %sub3A_26 = arith.subf %get3A_24, %sub3A_25 : vector<1000x256xf32>
      %get3A_27 = arith.constant 0 : index
      %get3A_28 = arith.constant 0 : index
      %get3A_29 = vector.load %arg10[%get3A_27, %get3A_28] : memref<1x256xf32, #tpu.memory_space<vmem>>, vector<1x256xf32>
      %mul3A_30 = arith.mulf %rsqrt3A, %get3A_29 : vector<1x256xf32>
      %mul3A_31 = vector.broadcast %mul3A_30 : vector<1x256xf32> to vector<1000x256xf32>
      %mul3A_32 = arith.mulf %sub3A_26, %mul3A_31 : vector<1000x256xf32>
      %get3A_33 = arith.constant 0 : index
      %get3A_34 = arith.constant 0 : index
      %get3A_35 = vector.load %arg11[%get3A_33, %get3A_34] : memref<1x256xf32, #tpu.memory_space<vmem>>, vector<1x256xf32>
      %add3A_36 = vector.broadcast %get3A_35 : vector<1x256xf32> to vector<1000x256xf32>
      %add3A_37 = arith.addf %mul3A_32, %add3A_36 : vector<1000x256xf32>
      %max3A = arith.constant 0.000000e+00 : f32
      %max3A_38 = vector.broadcast %max3A : f32 to vector<1000x256xf32>
      %max3A_39 = arith.maximumf %add3A_37, %max3A_38 : vector<1000x256xf32>
      %swap3A = arith.constant 0 : index
      %swap3A_40 = arith.constant 0 : index
      %swap3A_41 = vector.load %arg13[%swap3A, %swap3A_40] : memref<1000x256xf32, #tpu.memory_space<vmem>>, vector<1000x256xf32>
      tpu.vector_store %arg13[%swap3A, %swap3A_40], %max3A_39 {strides = array<i32>} : memref<1000x256xf32, #tpu.memory_space<vmem>>, vector<1000x256xf32>,
      %get3A_42 = arith.constant 0 : index
      %get3A_43 = arith.constant 0 : index
      %get3A_44 = vector.load %arg12[%get3A_42, %get3A_43] : memref<1000x256xf32, #tpu.memory_space<vmem>>, vector<1000x256xf32>
      %max3A_45 = arith.maximumf %get3A_44, %max3A_39 : vector<1000x256xf32>
      %swap3A_46 = arith.constant 0 : index
      %swap3A_47 = arith.constant 0 : index
      %swap3A_48 = vector.load %arg14[%swap3A_46, %swap3A_47] : memref<1000x256xf32, #tpu.memory_space<vmem>>, vector<1000x256xf32>
      tpu.vector_store %arg14[%swap3A_46, %swap3A_47], %max3A_45 {strides = array<i32>} : memref<1000x256xf32, #tpu.memory_space<vmem>>, vector<1000x256xf32>,
    } else {
    }
    return
  }
  func.func @transform_0(%arg0: i32, %arg1: i32) -> (i32, i32) {
    %c0_i32 = arith.constant 0 : i32
    %c0_i32_0 = arith.constant 0 : i32
    %c0_i32_1 = arith.constant 0 : i32
    return %c0_i32, %c0_i32_0 : i32, i32
  }
  func.func @transform_1(%arg0: i32, %arg1: i32) -> (i32, i32) {
    %eq3A = arith.constant 0 : i32
    %eq3A_0 = arith.cmpi eq, %arg0, %eq3A : i32
    %jit3A = arith.constant 0 : i32
    %select_n3A = arith.select %eq3A_0, %arg1, %jit3A : i32
    %c0_i32 = arith.constant 0 : i32
    %c0_i32_1 = arith.constant 0 : i32
    return %select_n3A, %c0_i32 : i32, i32
  }
  func.func @transform_2(%arg0: i32, %arg1: i32) -> (i32, i32) {
    %eq3A = arith.constant 0 : i32
    %eq3A_0 = arith.cmpi eq, %arg0, %eq3A : i32
    %jit3A = arith.constant 0 : i32
    %select_n3A = arith.select %eq3A_0, %arg1, %jit3A : i32
    %c0_i32 = arith.constant 0 : i32
    %c0_i32_1 = arith.constant 0 : i32
    return %select_n3A, %c0_i32 : i32, i32
  }
  func.func @transform_3(%arg0: i32, %arg1: i32) -> (i32, i32) {
    %eq3A = arith.constant 0 : i32
    %eq3A_0 = arith.cmpi eq, %arg0, %eq3A : i32
    %add3A = arith.constant 10 : i32
    %add3A_1 = arith.addi %arg1, %add3A : i32
    %jit3A = arith.constant 10 : i32
    %select_n3A = arith.select %eq3A_0, %add3A_1, %jit3A : i32
    %c0_i32 = arith.constant 0 : i32
    %c0_i32_2 = arith.constant 0 : i32
    return %select_n3A, %c0_i32 : i32, i32
  }
  func.func @transform_4(%arg0: i32, %arg1: i32) -> (i32, i32) {
    %c0_i32 = arith.constant 0 : i32
    %c0_i32_0 = arith.constant 0 : i32
    %c0_i32_1 = arith.constant 0 : i32
    return %c0_i32, %c0_i32_0 : i32, i32
  }
  func.func @transform_5(%arg0: i32, %arg1: i32) -> (i32, i32) {
    %c0_i32 = arith.constant 0 : i32
    %c0_i32_0 = arith.constant 0 : i32
    %c0_i32_1 = arith.constant 0 : i32
    return %c0_i32, %c0_i32_0 : i32, i32
  }
  func.func @transform_6(%arg0: i32, %arg1: i32) -> (i32, i32) {
    %c0_i32 = arith.constant 0 : i32
    %c0_i32_0 = arith.constant 0 : i32
    %c0_i32_1 = arith.constant 0 : i32
    return %c0_i32, %c0_i32_0 : i32, i32
  }
  func.func @transform_7(%arg0: i32, %arg1: i32) -> (i32, i32) {
    %c0_i32 = arith.constant 0 : i32
    %c0_i32_0 = arith.constant 0 : i32
    %c0_i32_1 = arith.constant 0 : i32
    return %c0_i32, %c0_i32_0 : i32, i32
  }
  func.func @transform_8(%arg0: i32, %arg1: i32) -> (i32, i32) {
    %c0_i32 = arith.constant 0 : i32
    %c0_i32_0 = arith.constant 0 : i32
    %c0_i32_1 = arith.constant 0 : i32
    return %c0_i32, %c0_i32_0 : i32, i32
  }
  func.func @transform_9(%arg0: i32, %arg1: i32) -> (i32, i32) {
    %c0_i32 = arith.constant 0 : i32
    %c0_i32_0 = arith.constant 0 : i32
    %c0_i32_1 = arith.constant 0 : i32
    return %c0_i32, %c0_i32_0 : i32, i32
  }
  func.func @transform_10(%arg0: i32, %arg1: i32) -> (i32, i32) {
    %eq3A = arith.constant 1 : i32
    %eq3A_0 = arith.cmpi eq, %arg0, %eq3A : i32
    %jit3A = arith.constant 0 : i32
    %select_n3A = arith.select %eq3A_0, %arg1, %jit3A : i32
    %c0_i32 = arith.constant 0 : i32
    %c0_i32_1 = arith.constant 0 : i32
    return %select_n3A, %c0_i32 : i32, i32
  }
  func.func @transform_11(%arg0: i32, %arg1: i32) -> (i32, i32) {
    %eq3A = arith.constant 1 : i32
    %eq3A_0 = arith.cmpi eq, %arg0, %eq3A : i32
    %jit3A = arith.constant 0 : i32
    %select_n3A = arith.select %eq3A_0, %arg1, %jit3A : i32
    %c0_i32 = arith.constant 0 : i32
    %c0_i32_1 = arith.constant 0 : i32
    return %select_n3A, %c0_i32 : i32, i32
  }
  func.func @transform_12(%arg0: i32, %arg1: i32) -> (i32, i32) {
    %eq3A = arith.constant 1 : i32
    %eq3A_0 = arith.cmpi eq, %arg0, %eq3A : i32
    %jit3A = arith.constant 0 : i32
    %select_n3A = arith.select %eq3A_0, %arg1, %jit3A : i32
    %c0_i32 = arith.constant 0 : i32
    %c0_i32_1 = arith.constant 0 : i32
    return %select_n3A, %c0_i32 : i32, i32
  }
}

</mosaic_0001>

<sc_bundles>
// kernel: kernel.11.cloned.1.call-start
scs
__scs_entry_jumppad:
0x0: {  	(pc) =	sbr.rel $0x88, $3  }
0x1: {  	(tag) =	ssettag $0x0;
	lr =	simm.s32 $0x1  }
0x2: {  	[smem:$0x3F98] =	sst lr;
	_ =	strace $0xD0000000  }
0x3: {  	_ = 	snop  }
0x4: {  	_ = 	snop  }
0x5: {  	_ = 	snop  }
0x6: {  	_ = 	snop  }
0x7: {  	_ = 	snop  }
__scs_overlays_trampoline_lowered:
0x8: {  	[smem:$0x3FA7] =	sst s0  }
0x9: {  	[smem:$0x3FA8] =	sst s1  }
0xa: {  	[smem:$0x3FA9] =	sst s2  }
0xb: {  	[smem:$0x3FAA] =	sst s3  }
0xc: {  	[smem:$0x3FAB] =	sst s4  }
0xd: {  	[smem:$0x3FAC] =	sst s5  }
0xe: {  	[smem:$0x3FAD] =	sst s6  }
0xf: {  	[smem:$0x3FAE] =	sst s7  }
0x10: {  	[smem:$0x3FAF] =	sst s8  }
0x11: {  	[smem:$0x3FB0] =	sst s9;
	s0 =	simm.s32 @!p0 $0x0  }
0x12: {  	s1 =	sld [smem:$0x3F96];
	s0 =	simm.s32 @p0 $0x1  }
0x13: {  	[smem:$0x3FB1] =	sst s0;
	s0 =	simm.s32 @!p1 $0x0  }
0x14: {  	s2 =	sld [smem:$0x3F95];
	s0 =	simm.s32 @p1 $0x1  }
0x15: {  	[smem:$0x3FB2] =	sst s0;
	s0 =	simm.s32 @!p2 $0x0  }
0x16: {  	s3 =	sld [smem:$0x3FDB];
	s0 =	simm.s32 @p2 $0x1  }
0x17: {  	s4 =	simm.s32 $0x1BF5;
	[smem:$0x3FB4] =	sst s0  }
0x18: {  	s0 =	sld [smem:$0x3F97];
	_ =	swait.ge [sflag:s4], $0x0  }
0x19: {  	s7 =	sld [smem:$0x3F98]  }
0x1a: {  	s8 =	sadd.s32 $0xFFFFE003, lr  }
0x1b: {  	s9 =	sadd.s32 $0xFFFFFEF7, lr;
	s5 =	simm.s32 $0xFFFFFFFF;
	p2 =	slt.u32 s8, $0xFFFFF086  }
0x1c: {  	p1 =	slt.u32 s9, $0xF7A;
	s5 =	simm.s32 @!p2 $0x0  }
0x1d: {  	s5 =	simm.s32 @p1 $0x1;
	p0 =	seq.s32 s7, s2  }
0x1e: {  	s7 =	smul.u32 @!p0 $0xF7A, s2;
	p2 =	seq.s32 @!p0 s5, $0x0  }
0x1f: {  	s9 =	smul.u32 $0xF7A, s1;
	s8 =	simm.s32 @!p0 $0x1BF5;
	p2 =	por !p2, p0  }
0x20: {  	[sflag:s8] =	ssyncset.s32 @!p0 $0xFFFFF086;
	s6 =	sadd.s32 @!p0 s3, s7;
	s7 =	simm.s32 @!p0 $0x108  }
0x21: {  	s3 =	sadd.s32 s3, s9;
	s6 =	sadd.s32 @!p0 $0x88, s6;
	s7 =	simm.s32 @p2 $0x1082  }
0x22: {  	[simem:s7], [sflag:s8] =	dma.local @!p0 [hbm:s6], $0xF7A  }
0x23: {  	s9 =	sor.u32 $0xD0000000, s2;
	s6 =	simm.s32 $0x108;
	_ =	swait.ge @!p0 [sflag:s8], $0x0  }
0x24: {  	s3 =	sadd.s32 $0x88, s3;
	s6 =	simm.s32 @!p1 $0x1082;
	[sflag:s4] =	ssyncset.s32 $0xFFFFF086  }
0x25: {  	[simem:s6], [sflag:s4] =	dma.local [hbm:s3], $0xF7A  }
0x26: {  	[smem:$0x3F98] =	sst s1;
	(tag) =	ssettag s2;
	_ =	strace s9  }
0x27: {  	s1 =	sld [smem:$0x3FA8]  }
0x28: {  	s2 =	sld [smem:$0x3FA9]  }
0x29: {  	s4 =	sld [smem:$0x3FAB]  }
0x2a: {  	p0 =	seq.s32 s5, $0x0;
	s5 =	sld [smem:$0x3FAC]  }
0x2b: {  	s6 =	sld [smem:$0x3FAD]  }
0x2c: {  	s7 =	sld [smem:$0x3FAE]  }
0x2d: {  	s3 =	simm.s32 $0x108;
	s8 =	sld [smem:$0x3FAF]  }
0x2e: {  	s3 =	simm.s32 @!p0 $0x1082;
	s9 =	sld [smem:$0x3FB0]  }
0x2f: {  	lr =	sadd.s32 s0, s3;
	s0 =	sld [smem:$0x3FA7]  }
0x30: {  	s3 =	sld [smem:$0x3FAA]  }
0x31: {  	[smem:$0x3FB3] =	sst s10  }
0x32: {  	s10 =	sld [smem:$0x3FB1];
	_ =	sdelay $0x3  }
0x33: {  	p0 =	seq.s32 s10, $0x1;
	s10 =	sld [smem:$0x3FB3];
	_ =	sdelay $0x3  }
0x34: {  	[smem:$0x3FB3] =	sst s10  }
0x35: {  	s10 =	sld [smem:$0x3FB2];
	_ =	sdelay $0x3  }
0x36: {  	p1 =	seq.s32 s10, $0x1;
	s10 =	sld [smem:$0x3FB3];
	_ =	sdelay $0x3  }
0x37: {  	[smem:$0x3FB3] =	sst s10  }
0x38: {  	s10 =	sld [smem:$0x3FB4]  }
0x39: {  	_ = 	snop;
	(pc) =	sbr.ind lr, $3  }
0x3a: {  	_ = 	snop  }
0x3b: {  	_ = 	snop  }
0x3c: {  	p2 =	seq.s32 s10, $0x1;
	s10 =	sld [smem:$0x3FB3]  }
0x3d: {  	_ =	shalt  }
0x3e: {  	_ =	shalt  }
0x3f: {  	_ =	shalt  }
0x40: {  	_ =	shalt  }
0x41: {  	_ =	shalt  }
0x42: {  	_ =	shalt  }
0x43: {  	_ =	shalt  }
0x44: {  	_ =	shalt  }
0x45: {  	_ =	shalt  }
0x46: {  	_ =	shalt  }
0x47: {  	_ =	shalt  }
0x48: {  	_ =	shalt  }
0x49: {  	_ =	shalt  }
0x4a: {  	_ =	shalt  }
0x4b: {  	_ =	shalt  }
0x4c: {  	_ =	shalt  }
0x4d: {  	_ =	shalt  }
0x4e: {  	_ =	shalt  }
0x4f: {  	_ =	shalt  }
0x50: {  	_ =	shalt  }
0x51: {  	_ =	shalt  }
0x52: {  	_ =	shalt  }
0x53: {  	_ =	shalt  }
0x54: {  	_ =	shalt  }
0x55: {  	_ =	shalt  }
0x56: {  	_ =	shalt  }
0x57: {  	_ =	shalt  }
0x58: {  	_ =	shalt  }
0x59: {  	_ =	shalt  }
0x5a: {  	_ =	shalt  }
0x5b: {  	_ =	shalt  }
0x5c: {  	_ =	shalt  }
0x5d: {  	_ =	shalt  }
0x5e: {  	_ =	shalt  }
0x5f: {  	_ =	shalt  }
0x60: {  	_ =	shalt  }
0x61: {  	_ =	shalt  }
0x62: {  	_ =	shalt  }
0x63: {  	_ =	shalt  }
0x64: {  	_ =	shalt  }
0x65: {  	_ =	shalt  }
0x66: {  	_ =	shalt  }
0x67: {  	_ =	shalt  }
0x68: {  	_ =	shalt  }
0x69: {  	_ =	shalt  }
0x6a: {  	_ =	shalt  }
0x6b: {  	_ =	shalt  }
0x6c: {  	_ =	shalt  }
0x6d: {  	_ =	shalt  }
0x6e: {  	_ =	shalt  }
0x6f: {  	_ =	shalt  }
0x70: {  	_ =	shalt  }
0x71: {  	_ =	shalt  }
0x72: {  	_ =	shalt  }
0x73: {  	_ =	shalt  }
0x74: {  	_ =	shalt  }
0x75: {  	_ =	shalt  }
0x76: {  	_ =	shalt  }
0x77: {  	_ =	shalt  }
0x78: {  	_ =	shalt  }
0x79: {  	_ =	shalt  }
0x7a: {  	_ =	shalt  }
0x7b: {  	_ =	shalt  }
0x7c: {  	_ =	shalt  }
0x7d: {  	_ =	shalt  }
0x7e: {  	_ =	shalt  }
0x7f: {  	_ =	shalt  }
0x80: {  	_ =	shalt  }
0x81: {  	_ =	shalt  }
0x82: {  	_ =	shalt  }
0x83: {  	_ =	shalt  }
0x84: {  	_ =	shalt  }
0x85: {  	_ =	shalt  }
0x86: {  	_ =	shalt  }
0x87: {  	_ =	shalt  }
.Lfunc_end0:
.L_simem_size_0:
called_computation.1_lowered:
.L_overlay_start_0:
0x88: {  	s2 =	sld [smem:$0x3FD9]  }
0x89: {  	s3 =	sld [smem:$0x3FFE];
	_ =	sdelay $0x1  }
0x8a: {  	s1 =	srdreg.scid  }
0x8b: {  	s0 =	sand.u32 $0x1, s1  }
0x8c: {  	s16 =	sshll.u32 s0, $0xA;
	s2 =	sadd.s32 s3, s2  }
0x8d: {  	s2 =	sadd.s32 s2, s16  }
0x8e: {  	[smem:$0x3FBF] =	sst s2  }
0x8f: {  	_ = 	snop  }
0x90: {  	(tm) =	ssettm $0x1  }
0x91: {  	s17 =	sld [smem:$0x3FFB];
	_ =	sdelay $0x3  }
0x92: {  	_ =	strace s17  }
0x93: {  	s2 =	sld [smem:$0x3FFC];
	_ =	sdelay $0x3  }
0x94: {  	_ =	strace s2  }
0x95: {  	s2 =	sld [smem:$0x3FFD];
	_ =	sdelay $0x3  }
0x96: {  	_ =	strace s2  }
0x97: {  	_ =	strace $0x8FFFFFFF  }
0x98: {  	s18 =	sld [smem:$0x3FDB];
	_ =	sdelay $0x1  }
0x99: {  	s19 =	simm.s32 $_scs_section_size  }
0x9a: {  	s4 =	simm.s32 $_size__tile_overlayer_lowered;
	s5 =	simm.s32 $_tile_overlayer_lowered  }
0x9b: {  	s22 =	simm.s32 $0x1BFF;
	s21 =	sshll.u32 s5, $0x1;
	s2 =	sadd.s32 s19, s18  }
0x9c: {  	s6 =	simm.s32 $0x0;
	s20 =	sshll.u32 s4, $0x1;
	s4 =	sadd.s32 s21, s2  }
0x9d: {  	[timem:s6], [sflag:s22] =	dma.local [hbm:s4], s20  }
0x9e: {  	_ =	swait.ge [sflag:s22], s20  }
0x9f: {  	s3 =	ssub.s32 $0x0, s20;
	[sflag:s22] =	ssyncset.done $0x0  }
0xa0: {  	[sflag:s22] =	ssyncadd.s32 s3;
	_ =	sdelay $0x1  }
0xa1: {  	s23 =	simm.s32 $0x1B8B  }
0xa2: {  	_ =	swait.ge [sflag:s23], $0x1  }
0xa3: {  	[sflag:s23] =	ssyncset.done $0x0  }
0xa4: {  	s25 =	simm.s32 $0x1B8E;
	s24 =	sld [smem:$0x3FFE];
	[sflag:s23] =	ssyncadd.s32 $0xFFFFFFFF  }
0xa5: {  	s26 =	simm.s32 $execute0_lowered;
	[smem:$0x3FD2] =	sst s25  }
0xa6: {  	s4 =	sshll.u32 s26, $0x1;
	_ =	strace $0x80000049;
	[dreg:$0x1] =	wrdreg $0xFFFFFFFF  }
0xa7: {  	s28 =	simm.s32 $_size_execute0_lowered;
	s2 =	sadd.s32 s2, s4;
	[dreg:$0x0] =	wrdreg $0x0  }
0xa8: {  	s4 =	sshll.u32 s28, $0x1;
	[dreg:$0x2] =	wrdreg s2  }
0xa9: {  	[dreg:$0x3] =	wrdreg s4  }
0xaa: {  	[dreg:$0x4] =	wrdreg $0xC0  }
0xab: {  	_ =	task [dreg:s6], $0x5FFFF  }
0xac: {  	[dreg:$0x1] =	wrdreg $0xFFFFFFFF  }
0xad: {  	[dreg:$0x0] =	wrdreg $0x60  }
0xae: {  	[dreg:$0x2] =	wrdreg s24  }
0xaf: {  	[dreg:$0x3] =	wrdreg $0x29000  }
0xb0: {  	[dreg:$0x4] =	wrdreg $0x9  }
0xb1: {  	_ =	task.clear_ibuf [dreg:s6], $0x5FFFF;
	_ =	strace $0x90000049  }
0xb2: {  	s29 =	simm.s32 $0x9;
	_ =	strace $0x8000004B  }
0xb3: {  	_ =	swait.ge [sflag:s29], $0x1  }
0xb4: {  	[sflag:s29] =	ssyncadd.s32 $0xFFFFFFFF  }
0xb5: {  	_ =	strace $0x9000004B  }
0xb6: {  	_ =	sfence  }
0xb7: {  	s30 =	sld [smem:$0x0];
	_ =	sdelay $0x2  }
0xb8: {  	s31 =	sshll.u32 s1, $0xD;
	s1 =	sshrl.u32 s1, $0x2  }
0xb9: {  	s3 =	sand.u32 $0x4000, s31;
	s1 =	sadd.s32 s1, s30  }
0xba: {  	s0 =	sor.u32 s3, s0;
	s1 =	sshll.u32 s1, $0x11  }
0xbb: {  	s0 =	sor.u32 s1, s0  }
0xbc: {  	s0 =	sadd.s32 $0x8F2B, s0  }
0xbd: {  	[sflag:s0] =	ssyncadd.remote.s32 $0x1  }
0xbe: {  	_ =	sfence.sel $0xFFFF  }
0xbf: {  	[dreg:$0x0] =	wrdreg $0xFFFFFFFF;
	(pc) =	sbr.abs _section_cstart, $3  }
0xc0: {  	[dreg:$0x1] =	wrdreg $0xFFFFFFFF  }
0xc1: {  	_ =	task.clear_ibuf [dreg:s6], $0x2FFFF;
	_ =	strace $0x9FFFFFFF  }
0xc2: {  	(tm) =	ssettm $0x7FFFFFFF  }
0xc3: {  	_ =	shalt  }
tec
execute0_lowered:
.L_overlay_start_1:
0x0: {  	(tag) =	ssettag $0x1  }
0x1: {  	s6 =	rddreg [dreg:$0x0]  }
0x2: {  	s0 =	srdreg.scid;
	s2 =	rddreg [dreg:$0x1]  }
0x3: {  	s1 =	rddreg [dreg:$0x2];
	s7 =	sand.u32 $0x1, s0  }
0x4: {  	s3 =	simm.s32 $0x0;
	s0 =	stileid.u32;
	s8 =	smul.u32 $0x27100, s7  }
0x5: {  	s16 =	simm.s32 $0x50;
	s17 =	simm.s32 $0x100;
	s4 =	smul.u32 $0x2710, s0  }
0x6: {  	s18 =	simm.s32 $0x1;
	s19 =	simm.s32 $0x0;
	s9 =	smul.u32 $0x4E2, s0  }
0x7: {  	[smem:$0x7FF] =	sst s3;
	s15 =	sadd.s32 $0xB4C00, s6;
	s11 =	smul.u32 $0x2780, s0  }
0x8: {  	_ =	strace $0x8000004A;
	s12 =	ssub.s32 $0x2, s7;
	s13 =	smul.u32 $0x4F000, s0  }
0x9: {  	s7 =	smul.u32 $0x138800, s7;
	p0 =	seq.s32 s0, $0xF;
	s14 =	sshrl.u32 s12, $0x1  }
0xa: {  	s4 =	sadd.s32 s4, s8;
	s9 =	sadd.s32 s9, s6;
	s12 =	ssub.s32 s12, s14  }
0xb: {  	s30 =	sshrl.u32 s13, $0x2;
	s31 =	sadd.s32 s11, s8;
	s7 =	sshrl.u32 s7, $0x3  }
0xc: {  	s11 =	sadd.s32 $0x128400, s2;
	s14 =	simm.s32 $0x2;
	s5 =	sshrl.u32 s4, $0x3  }
0xd: {  	s4 =	sadd.s32 $0x66A00, s6;
	s13 =	sadd.s32 s30, s2;
	s7 =	sadd.s32 s15, s7  }
0xe: {  	s8 =	smax.u32 s12, $0x1;
	s9 =	sadd.s32 $0x2C00, s9;
	s12 =	sshll.u32 @!p0 s0, $0x6  }
0xf: {  	s11 =	sshrl.u32 @p0 s11, $0x3;
	s10 =	sadd.s32 s5, s6;
	s5 =	sadd.s32 $0x11A00, s6  }
0x10: {  	s6 =	sadd.s32 s15, s31;
	s7 =	sadd.s32 $0x25080, s7;
	s12 =	sor.u32 @!p0 $0x1C02, s12  }
0x11: {  	s13 =	sshrl.u32 @!p0 s13, $0x3;
	s15 =	simm.s32 $0x80;
	s10 =	sadd.s32 $0x7C00, s10  }
.LBB2_1:
0x12: {  	s20 =	simm.s32 @p0 $0x1FC2  }
0x13: {  	[spmem:s11], [sflag:s20] =	dma.local @p0 [hbm:s5], $0x2080  }
0x14: {  	s20 =	simm.s32 @p0 $0x2  }
0x15: {  	_ =	swait.ge @p0 [sflag:s20], $0x2080  }
0x16: {  	[sflag:s20] =	ssyncset.done @p0 $0x0  }
0x17: {  	[sflag:s20] =	ssyncadd.s32 @p0 $0xFFFFDF80;
	s20 =	simm.s32 @!p0 $0x2  }
0x18: {  	[spmem:s13], [sflag:s12] =	dma.local @!p0 [hbm:s5], $0x2780  }
0x19: {  	_ =	swait.ge @!p0 [sflag:s20], $0x2780  }
0x1a: {  	[sflag:s20] =	ssyncset.done @!p0 $0x0  }
0x1b: {  	[sflag:s20] =	ssyncadd.s32 @!p0 $0xFFFFD880  }
0x1c: {  	s30 =	sadd.s32 $0x0, s10;
	[bflag:$0x0] =	sbarrier.arrive $0xFFFF  }
0x1d: {  	[tilespmem:s3], [sflag:$0x2] =	stream.linear.gather [hbm4b:s30+s3], $0x50, $0x38;
	[tilespmem:$0x16180] =	vst v63  }
0x1e: {  	_ =	swait.ge [sflag:s14], $0x50  }
0x1f: {  	[sflag:s14] =	ssyncset.done $0x0  }
0x20: {  	s31 =	sadd.s32 $0x0, s9;
	[sflag:s14] =	ssyncadd.s32 $0xFFFFFFB0  }
0x21: {  	[tilespmem:s15], [sflag:$0x2] =	stream.linear.gather [hbm4b:s31+s3], $0x50, $0x38;
	[tilespmem:$0x16180] =	vst v63  }
0x22: {  	_ =	swait.ge [sflag:s14], $0x50  }
0x23: {  	[sflag:s14] =	ssyncset.done $0x0  }
0x24: {  	[sflag:s14] =	ssyncadd.s32 $0xFFFFFFB0  }
0x25: {  	[tilespmem:s17], [sflag:$0x1] =	stream.indirect.gather [hbm4b:s4+s16], $0x80, s3, s16, $0xb8;
	[tilespmem:$0x16180] =	vst v63  }
0x26: {  	_ =	swait.ge [sflag:s18], $0x2800  }
0x27: {  	[sflag:s18] =	ssyncset.done $0x0  }
0x28: {  	[sflag:s18] =	ssyncadd.s32 $0xFFFFD800  }
0x29: {  	[spmem:s2] =	stream.indirect.scatter.add.f32 [tilespmem:s17], [sflag:$0x2], $0x80, s15, s16, $0xb8;
	[tilespmem:$0x16180] =	vst v63  }
0x2a: {  	_ =	swait.ge [sflag:s14], $0x2800  }
0x2b: {  	s21 =	simm.s32 $0x14;
	s20 =	simm.s32 $0xA;
	[sflag:s14] =	ssyncset.done $0x0  }
.LBB2_2:
0x2c: {  	s22 =	sadd.s32 s20, s10  }
0x2d: {  	[sflag:s14] =	ssyncadd.s32 $0xFFFFD800;
	s23 =	smov.u32 s21;
	s24 =	sadd.s32 $0xA, s21  }
0x2e: {  	[tilespmem:s3], [sflag:$0x2] =	stream.linear.gather [hbm4b:s22+s3], $0x50, $0x38;
	[tilespmem:$0x16180] =	vst v63  }
0x2f: {  	p1 =	sne.s32 s21, $0x4D8;
	_ =	swait.ge [sflag:s14], $0x50  }
0x30: {  	[sflag:s14] =	ssyncset.done $0x0  }
0x31: {  	s21 =	sadd.s32 s20, s9;
	s20 =	smov.u32 s23;
	[sflag:s14] =	ssyncadd.s32 $0xFFFFFFB0  }
0x32: {  	[tilespmem:s15], [sflag:$0x2] =	stream.linear.gather [hbm4b:s21+s3], $0x50, $0x38;
	[tilespmem:$0x16180] =	vst v63  }
0x33: {  	_ =	swait.ge [sflag:s14], $0x50  }
0x34: {  	[sflag:s14] =	ssyncset.done $0x0  }
0x35: {  	[sflag:s14] =	ssyncadd.s32 $0xFFFFFFB0  }
0x36: {  	[tilespmem:s17], [sflag:$0x1] =	stream.indirect.gather [hbm4b:s4+s16], $0x80, s3, s16, $0xb8;
	[tilespmem:$0x16180] =	vst v63  }
0x37: {  	_ =	swait.ge [sflag:s18], $0x2800  }
.Ltmp0:
0x38: {  	[sflag:s18] =	ssyncset.done $0x0;
	(pc) =	sbr.rel @p1 .LBB2_2-.Ltmp0, $4  }
0x39: {  	[sflag:s18] =	ssyncadd.s32 $0xFFFFD800  }
0x3a: {  	[spmem:s2] =	stream.indirect.scatter.add.f32 [tilespmem:s17], [sflag:$0x2], $0x80, s15, s16, $0xb8;
	[tilespmem:$0x16180] =	vst v63  }
0x3b: {  	_ =	swait.ge [sflag:s14], $0x2800  }
0x3c: {  	s21 =	smov.u32 s24;
	[sflag:s14] =	ssyncset.done $0x0  }
0x3d: {  	s21 =	sadd.s32 s20, s10;
	[sflag:s14] =	ssyncadd.s32 $0xFFFFD800  }
0x3e: {  	[tilespmem:s3], [sflag:$0x2] =	stream.linear.gather [hbm4b:s21+s3], $0x50, $0x38;
	[tilespmem:$0x16180] =	vst v63  }
0x3f: {  	_ =	swait.ge [sflag:s14], $0x50  }
0x40: {  	[sflag:s14] =	ssyncset.done $0x0  }
0x41: {  	s31 =	sadd.s32 s20, s9;
	[sflag:s14] =	ssyncadd.s32 $0xFFFFFFB0  }
0x42: {  	[tilespmem:s15], [sflag:$0x2] =	stream.linear.gather [hbm4b:s31+s3], $0x50, $0x38;
	[tilespmem:$0x16180] =	vst v63  }
0x43: {  	_ =	swait.ge [sflag:s14], $0x50  }
0x44: {  	[sflag:s14] =	ssyncset.done $0x0  }
0x45: {  	[sflag:s14] =	ssyncadd.s32 $0xFFFFFFB0  }
0x46: {  	[tilespmem:s17], [sflag:$0x1] =	stream.indirect.gather [hbm4b:s4+s16], $0x80, s3, s16, $0xb8;
	[tilespmem:$0x16180] =	vst v63  }
0x47: {  	_ =	swait.ge [sflag:s18], $0x2800  }
0x48: {  	[sflag:s18] =	ssyncset.done $0x0  }
0x49: {  	[sflag:s18] =	ssyncadd.s32 $0xFFFFD800  }
0x4a: {  	[spmem:s2] =	stream.indirect.scatter.add.f32 [tilespmem:s17], [sflag:$0x2], $0x80, s15, s16, $0xb8;
	[tilespmem:$0x16180] =	vst v63  }
0x4b: {  	_ =	swait.ge [sflag:s14], $0x2800  }
0x4c: {  	[sflag:s14] =	ssyncset.done $0x0  }
0x4d: {  	[sflag:s14] =	ssyncadd.s32 $0xFFFFD800  }
0x4e: {  	s20 =	simm.s32 @p0 $0x1FC2;
	[bflag:$0x0] =	sbarrier.arrive $0xFFFF  }
0x4f: {  	[hbm:s7], [sflag:s20] =	dma.local @p0 [spmem:s11], $0x2080  }
0x50: {  	s20 =	simm.s32 @p0 $0x2  }
0x51: {  	s19 =	sadd.s32 $0x1, s19;
	_ =	swait.ge @p0 [sflag:s20], $0x2080  }
0x52: {  	p1 =	sne.s32 s19, s8;
	[sflag:s20] =	ssyncset.done @p0 $0x0  }
.Ltmp1:
0x53: {  	[sflag:s20] =	ssyncadd.s32 @p0 $0xFFFFDF80;
	s20 =	simm.s32 @!p0 $0x2;
	(pc) =	sbr.rel @p1 .LBB2_1-.Ltmp1, $4  }
0x54: {  	[hbm:s6], [sflag:s12] =	dma.local @!p0 [spmem:s13], $0x2780  }
0x55: {  	_ =	swait.ge @!p0 [sflag:s20], $0x2780  }
0x56: {  	[sflag:s20] =	ssyncset.done @!p0 $0x0  }
0x57: {  	[sflag:s20] =	ssyncadd.s32 @!p0 $0xFFFFD880  }
0x58: {  	_ =	sfence.sel $0x180000  }
0x59: {  	[bflag:$0x0] =	sbarrier.arrive $0xFFFF  }
0x5a: {  	p0 =	sne.s32 s0, $0x0;
	_ =	strace $0x9000004A  }
0x5b: {  	s0 =	sadd.s32 @!p0 $0x100000, s1;
	[bflag:$0x2] =	sbarrier.arrive $0xFFFF  }
0x5c: {  	[sflag:s0] =	ssyncadd.tile.s32 @!p0 $0x1;
	_ =	shalt  }
.Lfunc_end2:
_tile_overlayer_lowered:
.L_overlay_start_2:
0x5d: {  	(tag) =	ssettag $0x2  }
0x5e: {  	s0 =	rddreg [dreg:$0x0];
	s2 =	stileid.u32  }
0x5f: {  	s1 =	rddreg [dreg:$0x1];
	p0 =	sne.s32 s2, $0x0  }
0x60: {  	s3 =	rddreg [dreg:$0x2];
	[bflag:$0x3] =	sbarrier.arrive $0xFFFF;
	s2 =	simm.s32 @!p0 $0x1C02  }
0x61: {  	[timem:s3], [sflag:s2] =	dma.local @!p0 [hbm:s0], s1  }
0x62: {  	s0 =	simm.s32 @!p0 $0x2  }
0x63: {  	_ =	swait.ge @!p0 [sflag:s0], s1  }
0x64: {  	s1 =	ssub.s32 @!p0 $0x0, s1;
	[sflag:s0] =	ssyncset.done @!p0 $0x0  }
0x65: {  	[sflag:s0] =	ssyncadd.s32 @!p0 s1  }
0x66: {  	[bflag:$0x3] =	sbarrier.arrive $0xFFFF  }
0x67: {  	_ =	shalt  }

// kernel: kernel.14.cloned.1.call-start
scs
__scs_entry_jumppad:
0x0: {  	(pc) =	sbr.rel $0x88, $3  }
0x1: {  	(tag) =	ssettag $0x0;
	lr =	simm.s32 $0x1  }
0x2: {  	[smem:$0x3F98] =	sst lr;
	_ =	strace $0xD0000000  }
0x3: {  	_ = 	snop  }
0x4: {  	_ = 	snop  }
0x5: {  	_ = 	snop  }
0x6: {  	_ = 	snop  }
0x7: {  	_ = 	snop  }
__scs_overlays_trampoline_lowered:
0x8: {  	[smem:$0x3FA7] =	sst s0  }
0x9: {  	[smem:$0x3FA8] =	sst s1  }
0xa: {  	[smem:$0x3FA9] =	sst s2  }
0xb: {  	[smem:$0x3FAA] =	sst s3  }
0xc: {  	[smem:$0x3FAB] =	sst s4  }
0xd: {  	[smem:$0x3FAC] =	sst s5  }
0xe: {  	[smem:$0x3FAD] =	sst s6  }
0xf: {  	[smem:$0x3FAE] =	sst s7  }
0x10: {  	[smem:$0x3FAF] =	sst s8  }
0x11: {  	[smem:$0x3FB0] =	sst s9;
	s0 =	simm.s32 @!p0 $0x0  }
0x12: {  	s1 =	sld [smem:$0x3F96];
	s0 =	simm.s32 @p0 $0x1  }
0x13: {  	[smem:$0x3FB1] =	sst s0;
	s0 =	simm.s32 @!p1 $0x0  }
0x14: {  	s2 =	sld [smem:$0x3F95];
	s0 =	simm.s32 @p1 $0x1  }
0x15: {  	[smem:$0x3FB2] =	sst s0;
	s0 =	simm.s32 @!p2 $0x0  }
0x16: {  	s3 =	sld [smem:$0x3FDB];
	s0 =	simm.s32 @p2 $0x1  }
0x17: {  	s4 =	simm.s32 $0x1BF5;
	[smem:$0x3FB4] =	sst s0  }
0x18: {  	s0 =	sld [smem:$0x3F97];
	_ =	swait.ge [sflag:s4], $0x0  }
0x19: {  	s7 =	sld [smem:$0x3F98]  }
0x1a: {  	s8 =	sadd.s32 $0xFFFFE003, lr  }
0x1b: {  	s9 =	sadd.s32 $0xFFFFFEF7, lr;
	s5 =	simm.s32 $0xFFFFFFFF;
	p2 =	slt.u32 s8, $0xFFFFF086  }
0x1c: {  	p1 =	slt.u32 s9, $0xF7A;
	s5 =	simm.s32 @!p2 $0x0  }
0x1d: {  	s5 =	simm.s32 @p1 $0x1;
	p0 =	seq.s32 s7, s2  }
0x1e: {  	s7 =	smul.u32 @!p0 $0xF7A, s2;
	p2 =	seq.s32 @!p0 s5, $0x0  }
0x1f: {  	s9 =	smul.u32 $0xF7A, s1;
	s8 =	simm.s32 @!p0 $0x1BF5;
	p2 =	por !p2, p0  }
0x20: {  	[sflag:s8] =	ssyncset.s32 @!p0 $0xFFFFF086;
	s6 =	sadd.s32 @!p0 s3, s7;
	s7 =	simm.s32 @!p0 $0x108  }
0x21: {  	s3 =	sadd.s32 s3, s9;
	s6 =	sadd.s32 @!p0 $0x88, s6;
	s7 =	simm.s32 @p2 $0x1082  }
0x22: {  	[simem:s7], [sflag:s8] =	dma.local @!p0 [hbm:s6], $0xF7A  }
0x23: {  	s9 =	sor.u32 $0xD0000000, s2;
	s6 =	simm.s32 $0x108;
	_ =	swait.ge @!p0 [sflag:s8], $0x0  }
0x24: {  	s3 =	sadd.s32 $0x88, s3;
	s6 =	simm.s32 @!p1 $0x1082;
	[sflag:s4] =	ssyncset.s32 $0xFFFFF086  }
0x25: {  	[simem:s6], [sflag:s4] =	dma.local [hbm:s3], $0xF7A  }
0x26: {  	[smem:$0x3F98] =	sst s1;
	(tag) =	ssettag s2;
	_ =	strace s9  }
0x27: {  	s1 =	sld [smem:$0x3FA8]  }
0x28: {  	s2 =	sld [smem:$0x3FA9]  }
0x29: {  	s4 =	sld [smem:$0x3FAB]  }
0x2a: {  	p0 =	seq.s32 s5, $0x0;
	s5 =	sld [smem:$0x3FAC]  }
0x2b: {  	s6 =	sld [smem:$0x3FAD]  }
0x2c: {  	s7 =	sld [smem:$0x3FAE]  }
0x2d: {  	s3 =	simm.s32 $0x108;
	s8 =	sld [smem:$0x3FAF]  }
0x2e: {  	s3 =	simm.s32 @!p0 $0x1082;
	s9 =	sld [smem:$0x3FB0]  }
0x2f: {  	lr =	sadd.s32 s0, s3;
	s0 =	sld [smem:$0x3FA7]  }
0x30: {  	s3 =	sld [smem:$0x3FAA]  }
0x31: {  	[smem:$0x3FB3] =	sst s10  }
0x32: {  	s10 =	sld [smem:$0x3FB1];
	_ =	sdelay $0x3  }
0x33: {  	p0 =	seq.s32 s10, $0x1;
	s10 =	sld [smem:$0x3FB3];
	_ =	sdelay $0x3  }
0x34: {  	[smem:$0x3FB3] =	sst s10  }
0x35: {  	s10 =	sld [smem:$0x3FB2];
	_ =	sdelay $0x3  }
0x36: {  	p1 =	seq.s32 s10, $0x1;
	s10 =	sld [smem:$0x3FB3];
	_ =	sdelay $0x3  }
0x37: {  	[smem:$0x3FB3] =	sst s10  }
0x38: {  	s10 =	sld [smem:$0x3FB4]  }
0x39: {  	_ = 	snop;
	(pc) =	sbr.ind lr, $3  }
0x3a: {  	_ = 	snop  }
0x3b: {  	_ = 	snop  }
0x3c: {  	p2 =	seq.s32 s10, $0x1;
	s10 =	sld [smem:$0x3FB3]  }
0x3d: {  	_ =	shalt  }
0x3e: {  	_ =	shalt  }
0x3f: {  	_ =	shalt  }
0x40: {  	_ =	shalt  }
0x41: {  	_ =	shalt  }
0x42: {  	_ =	shalt  }
0x43: {  	_ =	shalt  }
0x44: {  	_ =	shalt  }
0x45: {  	_ =	shalt  }
0x46: {  	_ =	shalt  }
0x47: {  	_ =	shalt  }
0x48: {  	_ =	shalt  }
0x49: {  	_ =	shalt  }
0x4a: {  	_ =	shalt  }
0x4b: {  	_ =	shalt  }
0x4c: {  	_ =	shalt  }
0x4d: {  	_ =	shalt  }
0x4e: {  	_ =	shalt  }
0x4f: {  	_ =	shalt  }
0x50: {  	_ =	shalt  }
0x51: {  	_ =	shalt  }
0x52: {  	_ =	shalt  }
0x53: {  	_ =	shalt  }
0x54: {  	_ =	shalt  }
0x55: {  	_ =	shalt  }
0x56: {  	_ =	shalt  }
0x57: {  	_ =	shalt  }
0x58: {  	_ =	shalt  }
0x59: {  	_ =	shalt  }
0x5a: {  	_ =	shalt  }
0x5b: {  	_ =	shalt  }
0x5c: {  	_ =	shalt  }
0x5d: {  	_ =	shalt  }
0x5e: {  	_ =	shalt  }
0x5f: {  	_ =	shalt  }
0x60: {  	_ =	shalt  }
0x61: {  	_ =	shalt  }
0x62: {  	_ =	shalt  }
0x63: {  	_ =	shalt  }
0x64: {  	_ =	shalt  }
0x65: {  	_ =	shalt  }
0x66: {  	_ =	shalt  }
0x67: {  	_ =	shalt  }
0x68: {  	_ =	shalt  }
0x69: {  	_ =	shalt  }
0x6a: {  	_ =	shalt  }
0x6b: {  	_ =	shalt  }
0x6c: {  	_ =	shalt  }
0x6d: {  	_ =	shalt  }
0x6e: {  	_ =	shalt  }
0x6f: {  	_ =	shalt  }
0x70: {  	_ =	shalt  }
0x71: {  	_ =	shalt  }
0x72: {  	_ =	shalt  }
0x73: {  	_ =	shalt  }
0x74: {  	_ =	shalt  }
0x75: {  	_ =	shalt  }
0x76: {  	_ =	shalt  }
0x77: {  	_ =	shalt  }
0x78: {  	_ =	shalt  }
0x79: {  	_ =	shalt  }
0x7a: {  	_ =	shalt  }
0x7b: {  	_ =	shalt  }
0x7c: {  	_ =	shalt  }
0x7d: {  	_ =	shalt  }
0x7e: {  	_ =	shalt  }
0x7f: {  	_ =	shalt  }
0x80: {  	_ =	shalt  }
0x81: {  	_ =	shalt  }
0x82: {  	_ =	shalt  }
0x83: {  	_ =	shalt  }
0x84: {  	_ =	shalt  }
0x85: {  	_ =	shalt  }
0x86: {  	_ =	shalt  }
0x87: {  	_ =	shalt  }
.Lfunc_end0:
.L_simem_size_0:
called_computation.2_lowered:
.L_overlay_start_0:
0x88: {  	s2 =	sld [smem:$0x3FD9]  }
0x89: {  	s3 =	sld [smem:$0x3FFE];
	_ =	sdelay $0x1  }
0x8a: {  	s1 =	srdreg.scid  }
0x8b: {  	s0 =	sand.u32 $0x1, s1  }
0x8c: {  	s17 =	sshll.u32 s0, $0xA;
	s2 =	sadd.s32 s3, s2  }
0x8d: {  	s2 =	sadd.s32 s2, s17  }
0x8e: {  	[smem:$0x3FBF] =	sst s2  }
0x8f: {  	_ = 	snop  }
0x90: {  	s2 =	sld [smem:$0x3FD0];
	(tm) =	ssettm $0x1  }
0x91: {  	s18 =	sld [smem:$0x3FFB];
	_ =	sdelay $0x3  }
0x92: {  	_ =	strace s18  }
0x93: {  	s3 =	sld [smem:$0x3FFC];
	_ =	sdelay $0x3  }
0x94: {  	_ =	strace s3  }
0x95: {  	s3 =	sld [smem:$0x3FFD];
	_ =	sdelay $0x3  }
0x96: {  	_ =	strace s3  }
0x97: {  	_ =	strace $0x8FFFFFFF  }
0x98: {  	s19 =	sld [smem:$0x3FDB];
	_ =	sdelay $0x1  }
0x99: {  	s4 =	simm.s32 $_scs_section_size  }
0x9a: {  	s5 =	simm.s32 $_size__tile_overlayer_lowered;
	s6 =	simm.s32 $_tile_overlayer_lowered  }
0x9b: {  	s22 =	simm.s32 $0x1BFF;
	s21 =	sshll.u32 s6, $0x1;
	s3 =	sadd.s32 s4, s19  }
0x9c: {  	s7 =	simm.s32 $0x0;
	s20 =	sshll.u32 s5, $0x1;
	s5 =	sadd.s32 s21, s3  }
0x9d: {  	[timem:s7], [sflag:s22] =	dma.local [hbm:s5], s20  }
0x9e: {  	_ =	swait.ge [sflag:s22], s20  }
0x9f: {  	s4 =	ssub.s32 $0x0, s20;
	[sflag:s22] =	ssyncset.done $0x0  }
0xa0: {  	[sflag:s22] =	ssyncadd.s32 s4;
	_ =	sdelay $0x1  }
0xa1: {  	s23 =	simm.s32 $0x1B8B  }
0xa2: {  	_ =	swait.ge [sflag:s23], $0x1  }
0xa3: {  	[sflag:s23] =	ssyncset.done $0x0  }
0xa4: {  	s25 =	simm.s32 $0x1B8E;
	s24 =	sld [smem:$0x3FFE];
	[sflag:s23] =	ssyncadd.s32 $0xFFFFFFFF  }
0xa5: {  	s26 =	simm.s32 $execute0_lowered;
	[smem:$0x3FD2] =	sst s25  }
0xa6: {  	s5 =	sshll.u32 s26, $0x1;
	_ =	strace $0x8000004C;
	[dreg:$0x1] =	wrdreg $0xFFFFFFFF  }
0xa7: {  	s28 =	simm.s32 $_size_execute0_lowered;
	s3 =	sadd.s32 s3, s5;
	[dreg:$0x0] =	wrdreg $0x0  }
0xa8: {  	s5 =	sshll.u32 s28, $0x1;
	[dreg:$0x2] =	wrdreg s3  }
0xa9: {  	[dreg:$0x3] =	wrdreg s5  }
0xaa: {  	[dreg:$0x4] =	wrdreg $0xC0  }
0xab: {  	_ =	task [dreg:s7], $0x5FFFF  }
0xac: {  	[dreg:$0x1] =	wrdreg $0xFFFFFFFF  }
0xad: {  	[dreg:$0x0] =	wrdreg $0x60  }
0xae: {  	[dreg:$0x2] =	wrdreg s2  }
0xaf: {  	[dreg:$0x3] =	wrdreg s24  }
0xb0: {  	[dreg:$0x4] =	wrdreg $0x29000  }
0xb1: {  	[dreg:$0x5] =	wrdreg $0x9  }
0xb2: {  	_ =	task.clear_ibuf [dreg:s7], $0x6FFFF;
	_ =	strace $0x9000004C  }
0xb3: {  	s29 =	simm.s32 $0x9;
	_ =	strace $0x8000004E  }
0xb4: {  	_ =	swait.ge [sflag:s29], $0x1  }
0xb5: {  	[sflag:s29] =	ssyncadd.s32 $0xFFFFFFFF  }
0xb6: {  	_ =	strace $0x9000004E  }
0xb7: {  	_ =	sfence  }
0xb8: {  	s30 =	sld [smem:$0x0];
	_ =	sdelay $0x2  }
0xb9: {  	s31 =	sshll.u32 s1, $0xD;
	s1 =	sshrl.u32 s1, $0x2  }
0xba: {  	s3 =	sand.u32 $0x4000, s31;
	s1 =	sadd.s32 s1, s30  }
0xbb: {  	s0 =	sor.u32 s3, s0;
	s1 =	sshll.u32 s1, $0x11  }
0xbc: {  	s0 =	sor.u32 s1, s0  }
0xbd: {  	s0 =	sadd.s32 $0x8F2B, s0  }
0xbe: {  	[sflag:s0] =	ssyncadd.remote.s32 $0x1  }
0xbf: {  	_ =	sfence.sel $0xFFFF  }
0xc0: {  	[dreg:$0x0] =	wrdreg $0xFFFFFFFF;
	(pc) =	sbr.abs _section_cstart, $3  }
0xc1: {  	[dreg:$0x1] =	wrdreg $0xFFFFFFFF  }
0xc2: {  	_ =	task.clear_ibuf [dreg:s7], $0x2FFFF;
	_ =	strace $0x9FFFFFFF  }
0xc3: {  	(tm) =	ssettm $0x7FFFFFFF  }
tec
execute0_lowered:
.L_overlay_start_1:
0x0: {  	(tag) =	ssettag $0x1  }
0x1: {  	s1 =	rddreg [dreg:$0x0]  }
0x2: {  	s8 =	rddreg [dreg:$0x1]  }
0x3: {  	s0 =	srdreg.scid;
	s3 =	rddreg [dreg:$0x2]  }
0x4: {  	s2 =	rddreg [dreg:$0x3];
	s6 =	sand.u32 $0x1, s0  }
0x5: {  	s0 =	stileid.u32;
	s7 =	smul.u32 $0x27100, s6  }
0x6: {  	s4 =	simm.s32 $0x0;
	s15 =	simm.s32 $0x80;
	s5 =	smul.u32 $0x2710, s0  }
0x7: {  	s16 =	simm.s32 $0x50;
	s17 =	simm.s32 $0x100;
	s9 =	smul.u32 $0x4E2, s0  }
0x8: {  	s18 =	simm.s32 $0x1;
	[smem:$0x7FF] =	sst s4;
	s11 =	smul.u32 $0x2780, s0  }
0x9: {  	s19 =	simm.s32 $0x0;
	_ =	strace $0x8000004D;
	s13 =	smul.u32 $0x4F000, s0  }
0xa: {  	s12 =	ssub.s32 $0x2, s6;
	s6 =	smul.u32 $0x138800, s6;
	p0 =	seq.s32 s0, $0xF  }
0xb: {  	s14 =	sshrl.u32 s12, $0x1;
	s5 =	sadd.s32 s5, s7;
	s9 =	sadd.s32 s9, s8  }
0xc: {  	s12 =	ssub.s32 s12, s14;
	s13 =	sshrl.u32 s13, $0x2;
	s7 =	sadd.s32 s11, s7  }
0xd: {  	s30 =	sshrl.u32 s6, $0x3;
	s14 =	sadd.s32 $0x128400, s3;
	s5 =	sshrl.u32 s5, $0x3  }
0xe: {  	s13 =	sadd.s32 s13, s3;
	s9 =	sadd.s32 $0x2C00, s9;
	s11 =	sshrl.u32 @p0 s14, $0x3  }
0xf: {  	s10 =	sadd.s32 s5, s8;
	s5 =	sadd.s32 $0x11A00, s8;
	s8 =	sadd.s32 $0x62A00, s8  }
0x10: {  	s14 =	simm.s32 $0x2;
	s13 =	sshrl.u32 @!p0 s13, $0x3;
	s6 =	sadd.s32 s8, s7  }
0x11: {  	s31 =	sadd.s32 s8, s30;
	s8 =	smax.u32 s12, $0x1;
	s12 =	sshll.u32 @!p0 s0, $0x6  }
0x12: {  	s10 =	sadd.s32 $0x7C00, s10;
	s7 =	sadd.s32 $0x25080, s31;
	s12 =	sor.u32 @!p0 $0x1C02, s12  }
.LBB2_1:
0x13: {  	s20 =	simm.s32 @p0 $0x1FC2  }
0x14: {  	[spmem:s11], [sflag:s20] =	dma.local @p0 [hbm:s5], $0x2080  }
0x15: {  	s20 =	simm.s32 @p0 $0x2  }
0x16: {  	_ =	swait.ge @p0 [sflag:s20], $0x2080  }
0x17: {  	[sflag:s20] =	ssyncset.done @p0 $0x0  }
0x18: {  	[sflag:s20] =	ssyncadd.s32 @p0 $0xFFFFDF80;
	s20 =	simm.s32 @!p0 $0x2  }
0x19: {  	[spmem:s13], [sflag:s12] =	dma.local @!p0 [hbm:s5], $0x2780  }
0x1a: {  	_ =	swait.ge @!p0 [sflag:s20], $0x2780  }
0x1b: {  	[sflag:s20] =	ssyncset.done @!p0 $0x0  }
0x1c: {  	[sflag:s20] =	ssyncadd.s32 @!p0 $0xFFFFD880  }
0x1d: {  	s30 =	sadd.s32 $0x0, s10;
	[bflag:$0x0] =	sbarrier.arrive $0xFFFF  }
0x1e: {  	[tilespmem:s4], [sflag:$0x2] =	stream.linear.gather [hbm4b:s30+s4], $0x50, $0x38;
	[tilespmem:$0x16180] =	vst v63  }
0x1f: {  	_ =	swait.ge [sflag:s14], $0x50  }
0x20: {  	[sflag:s14] =	ssyncset.done $0x0  }
0x21: {  	s31 =	sadd.s32 $0x0, s9;
	[sflag:s14] =	ssyncadd.s32 $0xFFFFFFB0  }
0x22: {  	[tilespmem:s15], [sflag:$0x2] =	stream.linear.gather [hbm4b:s31+s4], $0x50, $0x38;
	[tilespmem:$0x16180] =	vst v63  }
0x23: {  	_ =	swait.ge [sflag:s14], $0x50  }
0x24: {  	[sflag:s14] =	ssyncset.done $0x0  }
0x25: {  	[sflag:s14] =	ssyncadd.s32 $0xFFFFFFB0  }
0x26: {  	[tilespmem:s17], [sflag:$0x1] =	stream.indirect.gather [hbm4b:s1+s16], $0x80, s4, s16, $0xb8;
	[tilespmem:$0x16180] =	vst v63  }
0x27: {  	_ =	swait.ge [sflag:s18], $0x2800  }
0x28: {  	[sflag:s18] =	ssyncset.done $0x0  }
0x29: {  	[sflag:s18] =	ssyncadd.s32 $0xFFFFD800  }
0x2a: {  	[spmem:s3] =	stream.indirect.scatter.add.f32 [tilespmem:s17], [sflag:$0x2], $0x80, s15, s16, $0xb8;
	[tilespmem:$0x16180] =	vst v63  }
0x2b: {  	_ =	swait.ge [sflag:s14], $0x2800  }
0x2c: {  	s21 =	simm.s32 $0x14;
	s20 =	simm.s32 $0xA;
	[sflag:s14] =	ssyncset.done $0x0  }
.LBB2_2:
0x2d: {  	s22 =	sadd.s32 s20, s10  }
0x2e: {  	[sflag:s14] =	ssyncadd.s32 $0xFFFFD800;
	s23 =	smov.u32 s21;
	s24 =	sadd.s32 $0xA, s21  }
0x2f: {  	[tilespmem:s4], [sflag:$0x2] =	stream.linear.gather [hbm4b:s22+s4], $0x50, $0x38;
	[tilespmem:$0x16180] =	vst v63  }
0x30: {  	p1 =	sne.s32 s21, $0x4D8;
	_ =	swait.ge [sflag:s14], $0x50  }
0x31: {  	[sflag:s14] =	ssyncset.done $0x0  }
0x32: {  	s21 =	sadd.s32 s20, s9;
	s20 =	smov.u32 s23;
	[sflag:s14] =	ssyncadd.s32 $0xFFFFFFB0  }
0x33: {  	[tilespmem:s15], [sflag:$0x2] =	stream.linear.gather [hbm4b:s21+s4], $0x50, $0x38;
	[tilespmem:$0x16180] =	vst v63  }
0x34: {  	_ =	swait.ge [sflag:s14], $0x50  }
0x35: {  	[sflag:s14] =	ssyncset.done $0x0  }
0x36: {  	[sflag:s14] =	ssyncadd.s32 $0xFFFFFFB0  }
0x37: {  	[tilespmem:s17], [sflag:$0x1] =	stream.indirect.gather [hbm4b:s1+s16], $0x80, s4, s16, $0xb8;
	[tilespmem:$0x16180] =	vst v63  }
0x38: {  	_ =	swait.ge [sflag:s18], $0x2800  }
.Ltmp0:
0x39: {  	[sflag:s18] =	ssyncset.done $0x0;
	(pc) =	sbr.rel @p1 .LBB2_2-.Ltmp0, $4  }
0x3a: {  	[sflag:s18] =	ssyncadd.s32 $0xFFFFD800  }
0x3b: {  	[spmem:s3] =	stream.indirect.scatter.add.f32 [tilespmem:s17], [sflag:$0x2], $0x80, s15, s16, $0xb8;
	[tilespmem:$0x16180] =	vst v63  }
0x3c: {  	_ =	swait.ge [sflag:s14], $0x2800  }
0x3d: {  	s21 =	smov.u32 s24;
	[sflag:s14] =	ssyncset.done $0x0  }
0x3e: {  	s21 =	sadd.s32 s20, s10;
	[sflag:s14] =	ssyncadd.s32 $0xFFFFD800  }
0x3f: {  	[tilespmem:s4], [sflag:$0x2] =	stream.linear.gather [hbm4b:s21+s4], $0x50, $0x38;
	[tilespmem:$0x16180] =	vst v63  }
0x40: {  	_ =	swait.ge [sflag:s14], $0x50  }
0x41: {  	[sflag:s14] =	ssyncset.done $0x0  }
0x42: {  	s31 =	sadd.s32 s20, s9;
	[sflag:s14] =	ssyncadd.s32 $0xFFFFFFB0  }
0x43: {  	[tilespmem:s15], [sflag:$0x2] =	stream.linear.gather [hbm4b:s31+s4], $0x50, $0x38;
	[tilespmem:$0x16180] =	vst v63  }
0x44: {  	_ =	swait.ge [sflag:s14], $0x50  }
0x45: {  	[sflag:s14] =	ssyncset.done $0x0  }
0x46: {  	[sflag:s14] =	ssyncadd.s32 $0xFFFFFFB0  }
0x47: {  	[tilespmem:s17], [sflag:$0x1] =	stream.indirect.gather [hbm4b:s1+s16], $0x80, s4, s16, $0xb8;
	[tilespmem:$0x16180] =	vst v63  }
0x48: {  	_ =	swait.ge [sflag:s18], $0x2800  }
0x49: {  	[sflag:s18] =	ssyncset.done $0x0  }
0x4a: {  	[sflag:s18] =	ssyncadd.s32 $0xFFFFD800  }
0x4b: {  	[spmem:s3] =	stream.indirect.scatter.add.f32 [tilespmem:s17], [sflag:$0x2], $0x80, s15, s16, $0xb8;
	[tilespmem:$0x16180] =	vst v63  }
0x4c: {  	_ =	swait.ge [sflag:s14], $0x2800  }
0x4d: {  	[sflag:s14] =	ssyncset.done $0x0  }
0x4e: {  	[sflag:s14] =	ssyncadd.s32 $0xFFFFD800  }
0x4f: {  	s20 =	simm.s32 @p0 $0x1FC2;
	[bflag:$0x0] =	sbarrier.arrive $0xFFFF  }
0x50: {  	[hbm:s7], [sflag:s20] =	dma.local @p0 [spmem:s11], $0x2080  }
0x51: {  	s20 =	simm.s32 @p0 $0x2  }
0x52: {  	s19 =	sadd.s32 $0x1, s19;
	_ =	swait.ge @p0 [sflag:s20], $0x2080  }
0x53: {  	p1 =	sne.s32 s19, s8;
	[sflag:s20] =	ssyncset.done @p0 $0x0  }
.Ltmp1:
0x54: {  	[sflag:s20] =	ssyncadd.s32 @p0 $0xFFFFDF80;
	s20 =	simm.s32 @!p0 $0x2;
	(pc) =	sbr.rel @p1 .LBB2_1-.Ltmp1, $4  }
0x55: {  	[hbm:s6], [sflag:s12] =	dma.local @!p0 [spmem:s13], $0x2780  }
0x56: {  	_ =	swait.ge @!p0 [sflag:s20], $0x2780  }
0x57: {  	[sflag:s20] =	ssyncset.done @!p0 $0x0  }
0x58: {  	[sflag:s20] =	ssyncadd.s32 @!p0 $0xFFFFD880  }
0x59: {  	_ =	sfence.sel $0x180000  }
0x5a: {  	[bflag:$0x0] =	sbarrier.arrive $0xFFFF  }
0x5b: {  	p0 =	sne.s32 s0, $0x0;
	_ =	strace $0x9000004D  }
0x5c: {  	s0 =	sadd.s32 @!p0 $0x100000, s2;
	[bflag:$0x2] =	sbarrier.arrive $0xFFFF  }
0x5d: {  	[sflag:s0] =	ssyncadd.tile.s32 @!p0 $0x1;
	_ =	shalt  }
.Lfunc_end2:
_tile_overlayer_lowered:
.L_overlay_start_2:
0x5e: {  	(tag) =	ssettag $0x2  }
0x5f: {  	s0 =	rddreg [dreg:$0x0];
	s2 =	stileid.u32  }
0x60: {  	s1 =	rddreg [dreg:$0x1];
	p0 =	sne.s32 s2, $0x0  }
0x61: {  	s3 =	rddreg [dreg:$0x2];
	[bflag:$0x3] =	sbarrier.arrive $0xFFFF;
	s2 =	simm.s32 @!p0 $0x1C02  }
0x62: {  	[timem:s3], [sflag:s2] =	dma.local @!p0 [hbm:s0], s1  }
0x63: {  	s0 =	simm.s32 @!p0 $0x2  }
0x64: {  	_ =	swait.ge @!p0 [sflag:s0], s1  }
0x65: {  	s1 =	ssub.s32 @!p0 $0x0, s1;
	[sflag:s0] =	ssyncset.done @!p0 $0x0  }
0x66: {  	[sflag:s0] =	ssyncadd.s32 @!p0 s1  }
0x67: {  	[bflag:$0x3] =	sbarrier.arrive $0xFFFF  }
0x68: {  	_ =	shalt  }

// kernel: kernel.8.cloned.1.call-start
scs
__scs_entry_jumppad:
0x0: {  	(pc) =	sbr.rel $0x88, $3  }
0x1: {  	(tag) =	ssettag $0x0;
	lr =	simm.s32 $0x1  }
0x2: {  	[smem:$0x3F98] =	sst lr;
	_ =	strace $0xD0000000  }
0x3: {  	_ = 	snop  }
0x4: {  	_ = 	snop  }
0x5: {  	_ = 	snop  }
0x6: {  	_ = 	snop  }
0x7: {  	_ = 	snop  }
__scs_overlays_trampoline_lowered:
0x8: {  	[smem:$0x3FA7] =	sst s0  }
0x9: {  	[smem:$0x3FA8] =	sst s1  }
0xa: {  	[smem:$0x3FA9] =	sst s2  }
0xb: {  	[smem:$0x3FAA] =	sst s3  }
0xc: {  	[smem:$0x3FAB] =	sst s4  }
0xd: {  	[smem:$0x3FAC] =	sst s5  }
0xe: {  	[smem:$0x3FAD] =	sst s6  }
0xf: {  	[smem:$0x3FAE] =	sst s7  }
0x10: {  	[smem:$0x3FAF] =	sst s8  }
0x11: {  	[smem:$0x3FB0] =	sst s9;
	s0 =	simm.s32 @!p0 $0x0  }
0x12: {  	s1 =	sld [smem:$0x3F96];
	s0 =	simm.s32 @p0 $0x1  }
0x13: {  	[smem:$0x3FB1] =	sst s0;
	s0 =	simm.s32 @!p1 $0x0  }
0x14: {  	s2 =	sld [smem:$0x3F95];
	s0 =	simm.s32 @p1 $0x1  }
0x15: {  	[smem:$0x3FB2] =	sst s0;
	s0 =	simm.s32 @!p2 $0x0  }
0x16: {  	s3 =	sld [smem:$0x3FDB];
	s0 =	simm.s32 @p2 $0x1  }
0x17: {  	s4 =	simm.s32 $0x1BF5;
	[smem:$0x3FB4] =	sst s0  }
0x18: {  	s0 =	sld [smem:$0x3F97];
	_ =	swait.ge [sflag:s4], $0x0  }
0x19: {  	s7 =	sld [smem:$0x3F98]  }
0x1a: {  	s8 =	sadd.s32 $0xFFFFE003, lr  }
0x1b: {  	s9 =	sadd.s32 $0xFFFFFEF7, lr;
	s5 =	simm.s32 $0xFFFFFFFF;
	p2 =	slt.u32 s8, $0xFFFFF086  }
0x1c: {  	p1 =	slt.u32 s9, $0xF7A;
	s5 =	simm.s32 @!p2 $0x0  }
0x1d: {  	s5 =	simm.s32 @p1 $0x1;
	p0 =	seq.s32 s7, s2  }
0x1e: {  	s7 =	smul.u32 @!p0 $0xF7A, s2;
	p2 =	seq.s32 @!p0 s5, $0x0  }
0x1f: {  	s9 =	smul.u32 $0xF7A, s1;
	s8 =	simm.s32 @!p0 $0x1BF5;
	p2 =	por !p2, p0  }
0x20: {  	[sflag:s8] =	ssyncset.s32 @!p0 $0xFFFFF086;
	s6 =	sadd.s32 @!p0 s3, s7;
	s7 =	simm.s32 @!p0 $0x108  }
0x21: {  	s3 =	sadd.s32 s3, s9;
	s6 =	sadd.s32 @!p0 $0x88, s6;
	s7 =	simm.s32 @p2 $0x1082  }
0x22: {  	[simem:s7], [sflag:s8] =	dma.local @!p0 [hbm:s6], $0xF7A  }
0x23: {  	s9 =	sor.u32 $0xD0000000, s2;
	s6 =	simm.s32 $0x108;
	_ =	swait.ge @!p0 [sflag:s8], $0x0  }
0x24: {  	s3 =	sadd.s32 $0x88, s3;
	s6 =	simm.s32 @!p1 $0x1082;
	[sflag:s4] =	ssyncset.s32 $0xFFFFF086  }
0x25: {  	[simem:s6], [sflag:s4] =	dma.local [hbm:s3], $0xF7A  }
0x26: {  	[smem:$0x3F98] =	sst s1;
	(tag) =	ssettag s2;
	_ =	strace s9  }
0x27: {  	s1 =	sld [smem:$0x3FA8]  }
0x28: {  	s2 =	sld [smem:$0x3FA9]  }
0x29: {  	s4 =	sld [smem:$0x3FAB]  }
0x2a: {  	p0 =	seq.s32 s5, $0x0;
	s5 =	sld [smem:$0x3FAC]  }
0x2b: {  	s6 =	sld [smem:$0x3FAD]  }
0x2c: {  	s7 =	sld [smem:$0x3FAE]  }
0x2d: {  	s3 =	simm.s32 $0x108;
	s8 =	sld [smem:$0x3FAF]  }
0x2e: {  	s3 =	simm.s32 @!p0 $0x1082;
	s9 =	sld [smem:$0x3FB0]  }
0x2f: {  	lr =	sadd.s32 s0, s3;
	s0 =	sld [smem:$0x3FA7]  }
0x30: {  	s3 =	sld [smem:$0x3FAA]  }
0x31: {  	[smem:$0x3FB3] =	sst s10  }
0x32: {  	s10 =	sld [smem:$0x3FB1];
	_ =	sdelay $0x3  }
0x33: {  	p0 =	seq.s32 s10, $0x1;
	s10 =	sld [smem:$0x3FB3];
	_ =	sdelay $0x3  }
0x34: {  	[smem:$0x3FB3] =	sst s10  }
0x35: {  	s10 =	sld [smem:$0x3FB2];
	_ =	sdelay $0x3  }
0x36: {  	p1 =	seq.s32 s10, $0x1;
	s10 =	sld [smem:$0x3FB3];
	_ =	sdelay $0x3  }
0x37: {  	[smem:$0x3FB3] =	sst s10  }
0x38: {  	s10 =	sld [smem:$0x3FB4]  }
0x39: {  	_ = 	snop;
	(pc) =	sbr.ind lr, $3  }
0x3a: {  	_ = 	snop  }
0x3b: {  	_ = 	snop  }
0x3c: {  	p2 =	seq.s32 s10, $0x1;
	s10 =	sld [smem:$0x3FB3]  }
0x3d: {  	_ =	shalt  }
0x3e: {  	_ =	shalt  }
0x3f: {  	_ =	shalt  }
0x40: {  	_ =	shalt  }
0x41: {  	_ =	shalt  }
0x42: {  	_ =	shalt  }
0x43: {  	_ =	shalt  }
0x44: {  	_ =	shalt  }
0x45: {  	_ =	shalt  }
0x46: {  	_ =	shalt  }
0x47: {  	_ =	shalt  }
0x48: {  	_ =	shalt  }
0x49: {  	_ =	shalt  }
0x4a: {  	_ =	shalt  }
0x4b: {  	_ =	shalt  }
0x4c: {  	_ =	shalt  }
0x4d: {  	_ =	shalt  }
0x4e: {  	_ =	shalt  }
0x4f: {  	_ =	shalt  }
0x50: {  	_ =	shalt  }
0x51: {  	_ =	shalt  }
0x52: {  	_ =	shalt  }
0x53: {  	_ =	shalt  }
0x54: {  	_ =	shalt  }
0x55: {  	_ =	shalt  }
0x56: {  	_ =	shalt  }
0x57: {  	_ =	shalt  }
0x58: {  	_ =	shalt  }
0x59: {  	_ =	shalt  }
0x5a: {  	_ =	shalt  }
0x5b: {  	_ =	shalt  }
0x5c: {  	_ =	shalt  }
0x5d: {  	_ =	shalt  }
0x5e: {  	_ =	shalt  }
0x5f: {  	_ =	shalt  }
0x60: {  	_ =	shalt  }
0x61: {  	_ =	shalt  }
0x62: {  	_ =	shalt  }
0x63: {  	_ =	shalt  }
0x64: {  	_ =	shalt  }
0x65: {  	_ =	shalt  }
0x66: {  	_ =	shalt  }
0x67: {  	_ =	shalt  }
0x68: {  	_ =	shalt  }
0x69: {  	_ =	shalt  }
0x6a: {  	_ =	shalt  }
0x6b: {  	_ =	shalt  }
0x6c: {  	_ =	shalt  }
0x6d: {  	_ =	shalt  }
0x6e: {  	_ =	shalt  }
0x6f: {  	_ =	shalt  }
0x70: {  	_ =	shalt  }
0x71: {  	_ =	shalt  }
0x72: {  	_ =	shalt  }
0x73: {  	_ =	shalt  }
0x74: {  	_ =	shalt  }
0x75: {  	_ =	shalt  }
0x76: {  	_ =	shalt  }
0x77: {  	_ =	shalt  }
0x78: {  	_ =	shalt  }
0x79: {  	_ =	shalt  }
0x7a: {  	_ =	shalt  }
0x7b: {  	_ =	shalt  }
0x7c: {  	_ =	shalt  }
0x7d: {  	_ =	shalt  }
0x7e: {  	_ =	shalt  }
0x7f: {  	_ =	shalt  }
0x80: {  	_ =	shalt  }
0x81: {  	_ =	shalt  }
0x82: {  	_ =	shalt  }
0x83: {  	_ =	shalt  }
0x84: {  	_ =	shalt  }
0x85: {  	_ =	shalt  }
0x86: {  	_ =	shalt  }
0x87: {  	_ =	shalt  }
.Lfunc_end0:
.L_simem_size_0:
called_computation_lowered:
.L_overlay_start_0:
0x88: {  	s2 =	sld [smem:$0x3FD9]  }
0x89: {  	s3 =	sld [smem:$0x3FFE];
	_ =	sdelay $0x1  }
0x8a: {  	s1 =	srdreg.scid  }
0x8b: {  	s0 =	sand.u32 $0x1, s1  }
0x8c: {  	s17 =	sshll.u32 s0, $0xA;
	s2 =	sadd.s32 s3, s2  }
0x8d: {  	s2 =	sadd.s32 s2, s17  }
0x8e: {  	[smem:$0x3FBF] =	sst s2  }
0x8f: {  	_ = 	snop  }
0x90: {  	s2 =	sld [smem:$0x3FD0];
	(tm) =	ssettm $0x1  }
0x91: {  	s18 =	sld [smem:$0x3FFB];
	_ =	sdelay $0x3  }
0x92: {  	_ =	strace s18  }
0x93: {  	s3 =	sld [smem:$0x3FFC];
	_ =	sdelay $0x3  }
0x94: {  	_ =	strace s3  }
0x95: {  	s3 =	sld [smem:$0x3FFD];
	_ =	sdelay $0x3  }
0x96: {  	_ =	strace s3  }
0x97: {  	_ =	strace $0x8FFFFFFF  }
0x98: {  	s19 =	sld [smem:$0x3FDB];
	_ =	sdelay $0x1  }
0x99: {  	s4 =	simm.s32 $_scs_section_size  }
0x9a: {  	s5 =	simm.s32 $_size__tile_overlayer_lowered;
	s6 =	simm.s32 $_tile_overlayer_lowered  }
0x9b: {  	s22 =	simm.s32 $0x1BFF;
	s21 =	sshll.u32 s6, $0x1;
	s3 =	sadd.s32 s4, s19  }
0x9c: {  	s7 =	simm.s32 $0x0;
	s20 =	sshll.u32 s5, $0x1;
	s5 =	sadd.s32 s21, s3  }
0x9d: {  	[timem:s7], [sflag:s22] =	dma.local [hbm:s5], s20  }
0x9e: {  	_ =	swait.ge [sflag:s22], s20  }
0x9f: {  	s4 =	ssub.s32 $0x0, s20;
	[sflag:s22] =	ssyncset.done $0x0  }
0xa0: {  	[sflag:s22] =	ssyncadd.s32 s4;
	_ =	sdelay $0x1  }
0xa1: {  	s23 =	simm.s32 $0x1B8B  }
0xa2: {  	_ =	swait.ge [sflag:s23], $0x1  }
0xa3: {  	[sflag:s23] =	ssyncset.done $0x0  }
0xa4: {  	s25 =	simm.s32 $0x1B8E;
	s24 =	sld [smem:$0x3FFE];
	[sflag:s23] =	ssyncadd.s32 $0xFFFFFFFF  }
0xa5: {  	s26 =	simm.s32 $execute0_lowered;
	[smem:$0x3FD2] =	sst s25  }
0xa6: {  	s5 =	sshll.u32 s26, $0x1;
	_ =	strace $0x80000046;
	[dreg:$0x1] =	wrdreg $0xFFFFFFFF  }
0xa7: {  	s28 =	simm.s32 $_size_execute0_lowered;
	s3 =	sadd.s32 s3, s5;
	[dreg:$0x0] =	wrdreg $0x0  }
0xa8: {  	s5 =	sshll.u32 s28, $0x1;
	[dreg:$0x2] =	wrdreg s3  }
0xa9: {  	[dreg:$0x3] =	wrdreg s5  }
0xaa: {  	[dreg:$0x4] =	wrdreg $0xC0  }
0xab: {  	_ =	task [dreg:s7], $0x5FFFF  }
0xac: {  	[dreg:$0x1] =	wrdreg $0xFFFFFFFF  }
0xad: {  	[dreg:$0x0] =	wrdreg $0x60  }
0xae: {  	[dreg:$0x2] =	wrdreg s2  }
0xaf: {  	[dreg:$0x3] =	wrdreg s24  }
0xb0: {  	[dreg:$0x4] =	wrdreg $0x29000  }
0xb1: {  	[dreg:$0x5] =	wrdreg $0x9  }
0xb2: {  	_ =	task.clear_ibuf [dreg:s7], $0x6FFFF;
	_ =	strace $0x90000046  }
0xb3: {  	s29 =	simm.s32 $0x9;
	_ =	strace $0x80000048  }
0xb4: {  	_ =	swait.ge [sflag:s29], $0x1  }
0xb5: {  	[sflag:s29] =	ssyncadd.s32 $0xFFFFFFFF  }
0xb6: {  	_ =	strace $0x90000048  }
0xb7: {  	_ =	sfence  }
0xb8: {  	s30 =	sld [smem:$0x0];
	_ =	sdelay $0x2  }
0xb9: {  	s31 =	sshll.u32 s1, $0xD;
	s1 =	sshrl.u32 s1, $0x2  }
0xba: {  	s3 =	sand.u32 $0x4000, s31;
	s1 =	sadd.s32 s1, s30  }
0xbb: {  	s0 =	sor.u32 s3, s0;
	s1 =	sshll.u32 s1, $0x11  }
0xbc: {  	s0 =	sor.u32 s1, s0  }
0xbd: {  	s0 =	sadd.s32 $0x8F2B, s0  }
0xbe: {  	[sflag:s0] =	ssyncadd.remote.s32 $0x1  }
0xbf: {  	_ =	sfence.sel $0xFFFF  }
0xc0: {  	[dreg:$0x0] =	wrdreg $0xFFFFFFFF;
	(pc) =	sbr.abs _section_cstart, $3  }
0xc1: {  	[dreg:$0x1] =	wrdreg $0xFFFFFFFF  }
0xc2: {  	_ =	task.clear_ibuf [dreg:s7], $0x2FFFF;
	_ =	strace $0x9FFFFFFF  }
0xc3: {  	(tm) =	ssettm $0x7FFFFFFF  }
tec
execute0_lowered:
.L_overlay_start_1:
0x0: {  	(tag) =	ssettag $0x1  }
0x1: {  	s1 =	rddreg [dreg:$0x0]  }
0x2: {  	s8 =	rddreg [dreg:$0x1]  }
0x3: {  	s0 =	srdreg.scid;
	s3 =	rddreg [dreg:$0x2]  }
0x4: {  	s2 =	rddreg [dreg:$0x3];
	s6 =	sand.u32 $0x1, s0  }
0x5: {  	s0 =	stileid.u32;
	s7 =	smul.u32 $0x27100, s6  }
0x6: {  	s4 =	simm.s32 $0x0;
	s15 =	simm.s32 $0x80;
	s5 =	smul.u32 $0x2710, s0  }
0x7: {  	s16 =	simm.s32 $0x50;
	s17 =	simm.s32 $0x100;
	s9 =	smul.u32 $0x4E2, s0  }
0x8: {  	s18 =	simm.s32 $0x1;
	[smem:$0x7FF] =	sst s4;
	s11 =	smul.u32 $0x2780, s0  }
0x9: {  	s19 =	simm.s32 $0x0;
	_ =	strace $0x80000047;
	s13 =	smul.u32 $0x4F000, s0  }
0xa: {  	s12 =	ssub.s32 $0x2, s6;
	s6 =	smul.u32 $0x138800, s6;
	p0 =	seq.s32 s0, $0xF  }
0xb: {  	s14 =	sshrl.u32 s12, $0x1;
	s5 =	sadd.s32 s5, s7;
	s9 =	sadd.s32 s9, s8  }
0xc: {  	s12 =	ssub.s32 s12, s14;
	s13 =	sshrl.u32 s13, $0x2;
	s7 =	sadd.s32 s11, s7  }
0xd: {  	s30 =	sshrl.u32 s6, $0x3;
	s14 =	sadd.s32 $0x128400, s3;
	s5 =	sshrl.u32 s5, $0x3  }
0xe: {  	s13 =	sadd.s32 s13, s3;
	s9 =	sadd.s32 $0x2C00, s9;
	s11 =	sshrl.u32 @p0 s14, $0x3  }
0xf: {  	s10 =	sadd.s32 s5, s8;
	s5 =	sadd.s32 $0x11A00, s8;
	s8 =	sadd.s32 $0x14200, s8  }
0x10: {  	s14 =	simm.s32 $0x2;
	s13 =	sshrl.u32 @!p0 s13, $0x3;
	s6 =	sadd.s32 s8, s7  }
0x11: {  	s31 =	sadd.s32 s8, s30;
	s8 =	smax.u32 s12, $0x1;
	s12 =	sshll.u32 @!p0 s0, $0x6  }
0x12: {  	s10 =	sadd.s32 $0x7C00, s10;
	s7 =	sadd.s32 $0x25080, s31;
	s12 =	sor.u32 @!p0 $0x1C02, s12  }
.LBB2_1:
0x13: {  	s20 =	simm.s32 @p0 $0x1FC2  }
0x14: {  	[spmem:s11], [sflag:s20] =	dma.local @p0 [hbm:s5], $0x2080  }
0x15: {  	s20 =	simm.s32 @p0 $0x2  }
0x16: {  	_ =	swait.ge @p0 [sflag:s20], $0x2080  }
0x17: {  	[sflag:s20] =	ssyncset.done @p0 $0x0  }
0x18: {  	[sflag:s20] =	ssyncadd.s32 @p0 $0xFFFFDF80;
	s20 =	simm.s32 @!p0 $0x2  }
0x19: {  	[spmem:s13], [sflag:s12] =	dma.local @!p0 [hbm:s5], $0x2780  }
0x1a: {  	_ =	swait.ge @!p0 [sflag:s20], $0x2780  }
0x1b: {  	[sflag:s20] =	ssyncset.done @!p0 $0x0  }
0x1c: {  	[sflag:s20] =	ssyncadd.s32 @!p0 $0xFFFFD880  }
0x1d: {  	s30 =	sadd.s32 $0x0, s10;
	[bflag:$0x0] =	sbarrier.arrive $0xFFFF  }
0x1e: {  	[tilespmem:s4], [sflag:$0x2] =	stream.linear.gather [hbm4b:s30+s4], $0x50, $0x38;
	[tilespmem:$0x16180] =	vst v63  }
0x1f: {  	_ =	swait.ge [sflag:s14], $0x50  }
0x20: {  	[sflag:s14] =	ssyncset.done $0x0  }
0x21: {  	s31 =	sadd.s32 $0x0, s9;
	[sflag:s14] =	ssyncadd.s32 $0xFFFFFFB0  }
0x22: {  	[tilespmem:s15], [sflag:$0x2] =	stream.linear.gather [hbm4b:s31+s4], $0x50, $0x38;
	[tilespmem:$0x16180] =	vst v63  }
0x23: {  	_ =	swait.ge [sflag:s14], $0x50  }
0x24: {  	[sflag:s14] =	ssyncset.done $0x0  }
0x25: {  	[sflag:s14] =	ssyncadd.s32 $0xFFFFFFB0  }
0x26: {  	[tilespmem:s17], [sflag:$0x1] =	stream.indirect.gather [hbm4b:s1+s16], $0x80, s4, s16, $0xb8;
	[tilespmem:$0x16180] =	vst v63  }
0x27: {  	_ =	swait.ge [sflag:s18], $0x2800  }
0x28: {  	[sflag:s18] =	ssyncset.done $0x0  }
0x29: {  	[sflag:s18] =	ssyncadd.s32 $0xFFFFD800  }
0x2a: {  	[spmem:s3] =	stream.indirect.scatter.add.f32 [tilespmem:s17], [sflag:$0x2], $0x80, s15, s16, $0xb8;
	[tilespmem:$0x16180] =	vst v63  }
0x2b: {  	_ =	swait.ge [sflag:s14], $0x2800  }
0x2c: {  	s21 =	simm.s32 $0x14;
	s20 =	simm.s32 $0xA;
	[sflag:s14] =	ssyncset.done $0x0  }
.LBB2_2:
0x2d: {  	s22 =	sadd.s32 s20, s10  }
0x2e: {  	[sflag:s14] =	ssyncadd.s32 $0xFFFFD800;
	s23 =	smov.u32 s21;
	s24 =	sadd.s32 $0xA, s21  }
0x2f: {  	[tilespmem:s4], [sflag:$0x2] =	stream.linear.gather [hbm4b:s22+s4], $0x50, $0x38;
	[tilespmem:$0x16180] =	vst v63  }
0x30: {  	p1 =	sne.s32 s21, $0x4D8;
	_ =	swait.ge [sflag:s14], $0x50  }
0x31: {  	[sflag:s14] =	ssyncset.done $0x0  }
0x32: {  	s21 =	sadd.s32 s20, s9;
	s20 =	smov.u32 s23;
	[sflag:s14] =	ssyncadd.s32 $0xFFFFFFB0  }
0x33: {  	[tilespmem:s15], [sflag:$0x2] =	stream.linear.gather [hbm4b:s21+s4], $0x50, $0x38;
	[tilespmem:$0x16180] =	vst v63  }
0x34: {  	_ =	swait.ge [sflag:s14], $0x50  }
0x35: {  	[sflag:s14] =	ssyncset.done $0x0  }
0x36: {  	[sflag:s14] =	ssyncadd.s32 $0xFFFFFFB0  }
0x37: {  	[tilespmem:s17], [sflag:$0x1] =	stream.indirect.gather [hbm4b:s1+s16], $0x80, s4, s16, $0xb8;
	[tilespmem:$0x16180] =	vst v63  }
0x38: {  	_ =	swait.ge [sflag:s18], $0x2800  }
.Ltmp0:
0x39: {  	[sflag:s18] =	ssyncset.done $0x0;
	(pc) =	sbr.rel @p1 .LBB2_2-.Ltmp0, $4  }
0x3a: {  	[sflag:s18] =	ssyncadd.s32 $0xFFFFD800  }
0x3b: {  	[spmem:s3] =	stream.indirect.scatter.add.f32 [tilespmem:s17], [sflag:$0x2], $0x80, s15, s16, $0xb8;
	[tilespmem:$0x16180] =	vst v63  }
0x3c: {  	_ =	swait.ge [sflag:s14], $0x2800  }
0x3d: {  	s21 =	smov.u32 s24;
	[sflag:s14] =	ssyncset.done $0x0  }
0x3e: {  	s21 =	sadd.s32 s20, s10;
	[sflag:s14] =	ssyncadd.s32 $0xFFFFD800  }
0x3f: {  	[tilespmem:s4], [sflag:$0x2] =	stream.linear.gather [hbm4b:s21+s4], $0x50, $0x38;
	[tilespmem:$0x16180] =	vst v63  }
0x40: {  	_ =	swait.ge [sflag:s14], $0x50  }
0x41: {  	[sflag:s14] =	ssyncset.done $0x0  }
0x42: {  	s31 =	sadd.s32 s20, s9;
	[sflag:s14] =	ssyncadd.s32 $0xFFFFFFB0  }
0x43: {  	[tilespmem:s15], [sflag:$0x2] =	stream.linear.gather [hbm4b:s31+s4], $0x50, $0x38;
	[tilespmem:$0x16180] =	vst v63  }
0x44: {  	_ =	swait.ge [sflag:s14], $0x50  }
0x45: {  	[sflag:s14] =	ssyncset.done $0x0  }
0x46: {  	[sflag:s14] =	ssyncadd.s32 $0xFFFFFFB0  }
0x47: {  	[tilespmem:s17], [sflag:$0x1] =	stream.indirect.gather [hbm4b:s1+s16], $0x80, s4, s16, $0xb8;
	[tilespmem:$0x16180] =	vst v63  }
0x48: {  	_ =	swait.ge [sflag:s18], $0x2800  }
0x49: {  	[sflag:s18] =	ssyncset.done $0x0  }
0x4a: {  	[sflag:s18] =	ssyncadd.s32 $0xFFFFD800  }
0x4b: {  	[spmem:s3] =	stream.indirect.scatter.add.f32 [tilespmem:s17], [sflag:$0x2], $0x80, s15, s16, $0xb8;
	[tilespmem:$0x16180] =	vst v63  }
0x4c: {  	_ =	swait.ge [sflag:s14], $0x2800  }
0x4d: {  	[sflag:s14] =	ssyncset.done $0x0  }
0x4e: {  	[sflag:s14] =	ssyncadd.s32 $0xFFFFD800  }
0x4f: {  	s20 =	simm.s32 @p0 $0x1FC2;
	[bflag:$0x0] =	sbarrier.arrive $0xFFFF  }
0x50: {  	[hbm:s7], [sflag:s20] =	dma.local @p0 [spmem:s11], $0x2080  }
0x51: {  	s20 =	simm.s32 @p0 $0x2  }
0x52: {  	s19 =	sadd.s32 $0x1, s19;
	_ =	swait.ge @p0 [sflag:s20], $0x2080  }
0x53: {  	p1 =	sne.s32 s19, s8;
	[sflag:s20] =	ssyncset.done @p0 $0x0  }
.Ltmp1:
0x54: {  	[sflag:s20] =	ssyncadd.s32 @p0 $0xFFFFDF80;
	s20 =	simm.s32 @!p0 $0x2;
	(pc) =	sbr.rel @p1 .LBB2_1-.Ltmp1, $4  }
0x55: {  	[hbm:s6], [sflag:s12] =	dma.local @!p0 [spmem:s13], $0x2780  }
0x56: {  	_ =	swait.ge @!p0 [sflag:s20], $0x2780  }
0x57: {  	[sflag:s20] =	ssyncset.done @!p0 $0x0  }
0x58: {  	[sflag:s20] =	ssyncadd.s32 @!p0 $0xFFFFD880  }
0x59: {  	_ =	sfence.sel $0x180000  }
0x5a: {  	[bflag:$0x0] =	sbarrier.arrive $0xFFFF  }
0x5b: {  	p0 =	sne.s32 s0, $0x0;
	_ =	strace $0x90000047  }
0x5c: {  	s0 =	sadd.s32 @!p0 $0x100000, s2;
	[bflag:$0x2] =	sbarrier.arrive $0xFFFF  }
0x5d: {  	[sflag:s0] =	ssyncadd.tile.s32 @!p0 $0x1;
	_ =	shalt  }
.Lfunc_end2:
_tile_overlayer_lowered:
.L_overlay_start_2:
0x5e: {  	(tag) =	ssettag $0x2  }
0x5f: {  	s0 =	rddreg [dreg:$0x0];
	s2 =	stileid.u32  }
0x60: {  	s1 =	rddreg [dreg:$0x1];
	p0 =	sne.s32 s2, $0x0  }
0x61: {  	s3 =	rddreg [dreg:$0x2];
	[bflag:$0x3] =	sbarrier.arrive $0xFFFF;
	s2 =	simm.s32 @!p0 $0x1C02  }
0x62: {  	[timem:s3], [sflag:s2] =	dma.local @!p0 [hbm:s0], s1  }
0x63: {  	s0 =	simm.s32 @!p0 $0x2  }
0x64: {  	_ =	swait.ge @!p0 [sflag:s0], s1  }
0x65: {  	s1 =	ssub.s32 @!p0 $0x0, s1;
	[sflag:s0] =	ssyncset.done @!p0 $0x0  }
0x66: {  	[sflag:s0] =	ssyncadd.s32 @!p0 s1  }
0x67: {  	[bflag:$0x3] =	sbarrier.arrive $0xFFFF  }
0x68: {  	_ =	shalt  }

</sc_bundles>
